<compile_context>
chip_gen: v7x
topology: tpu7x:2x2x1
jax: 0.10.2.dev20260603
libtpu: 0.0.44.dev20260713+nightly
codegen_flags: <defaults>
</compile_context>

<pallas_src>
import functools

import jax
import jax.numpy as jnp
from jax import lax
from jax.experimental import pallas as pl
from jax.experimental.pallas import tpu as pltpu
from jax.experimental.pallas import tpu_sc as plsc

BATCH = 4096
SEQ = 200
D = 64
OUT_DIM = 1000
VOCAB_ROWS = 1000000

NC, NS = 2, 16
NW = NC * NS
ROWS_PER_W = BATCH // NW
CHUNK = 40
NCHUNK = SEQ // CHUNK

TC_COLS = 12544
N_RELAYOUT = 40
SPLIT = TC_COLS * N_RELAYOUT


def _relayout_body(lo_ref, hi_ref, out_ref):
    stacked = jnp.concatenate([lo_ref[...], hi_ref[...]], axis=0)
    row = jax.lax.broadcasted_iota(jnp.int32, (2 * D, 2 * D), 0)
    col = jax.lax.broadcasted_iota(jnp.int32, (2 * D, 2 * D), 1)
    ident = (row == col).astype(jnp.float32)
    hi_p = stacked.astype(jnp.bfloat16).astype(jnp.float32)
    lo_p = stacked - hi_p
    dims = (((0,), (0,)), ((), ()))
    out_ref[...] = (
        jax.lax.dot_general(hi_p, ident, dims,
                            preferred_element_type=jnp.float32)
        + jax.lax.dot_general(lo_p, ident, dims,
                              preferred_element_type=jnp.float32))


def _relayout(tableT):
    return pl.pallas_call(
        _relayout_body,
        grid=(N_RELAYOUT,),
        in_specs=[
            pl.BlockSpec((D, TC_COLS), lambda i: (0, i)),
            pl.BlockSpec((D, TC_COLS), lambda i: (0, i + N_RELAYOUT)),
        ],
        out_specs=pl.BlockSpec((TC_COLS, 2 * D), lambda i: (i, 0)),
        out_shape=jax.ShapeDtypeStruct((SPLIT, 2 * D), jnp.float32),
    )(tableT, tableT)


def _bag_body(idx_hbm, table_hbm, out_hbm, idx_v, rows0, rows1, out_v, sem0, sem1):
    wid = lax.axis_index("s") * NC + lax.axis_index("c")
    base = wid * ROWS_PER_W

    pltpu.sync_copy(idx_hbm.at[pl.ds(base, ROWS_PER_W), :], idx_v)

    def issue(r, buf, sem):
        for j in range(NCHUNK):
            pltpu.async_copy(
                table_hbm.at[idx_v.at[r, pl.ds(j * CHUNK, CHUNK)]],
                buf.at[pl.ds(j * CHUNK, CHUNK), :],
                sem,
            )

    def drain(buf, sem):
        for j in range(NCHUNK):
            pltpu.make_async_copy(
                table_hbm.at[idx_v.at[0, pl.ds(0, CHUNK)]],
                buf.at[pl.ds(j * CHUNK, CHUNK), :],
                sem,
            ).wait()

    def reduce_row(buf, r):
        def body(i, accs):
            return tuple(a + buf[i, pl.ds(d * 16, 16)] for d, a in enumerate(accs))
        accs = lax.fori_loop(0, SEQ, body,
                             tuple(jnp.zeros((16,), jnp.float32) for _ in range(4)),
                             unroll=8)
        for d in range(4):
            out_v[r, pl.ds(d * 16, 16)] = accs[d]

    issue(0, rows0, sem0)
    bufs = ((rows0, sem0), (rows1, sem1))

    def outer(o, carry):
        for b in range(2):
            r = o * 2 + b
            buf, sem = bufs[b]
            nbuf, nsem = bufs[1 - b]

            @pl.when(r + 1 < ROWS_PER_W)
            def _():
                issue(r + 1, nbuf, nsem)

            drain(buf, sem)
            reduce_row(buf, r)
        return carry

    lax.fori_loop(0, ROWS_PER_W // 2, outer, 0)
    pltpu.sync_copy(out_v, out_hbm.at[pl.ds(base, ROWS_PER_W), :])


@functools.lru_cache(maxsize=None)
def _make_bag_sum():
  return pl.kernel(
    _bag_body,
    out_type=jax.ShapeDtypeStruct((BATCH, D), jnp.float32),
    mesh=plsc.VectorSubcoreMesh(core_axis_name="c", subcore_axis_name="s",
                                num_cores=NC, num_subcores=NS),
    scratch_types=[
        pltpu.VMEM((ROWS_PER_W, SEQ), jnp.int32),
        pltpu.VMEM((SEQ, D), jnp.float32),
        pltpu.VMEM((SEQ, D), jnp.float32),
        pltpu.VMEM((ROWS_PER_W, D), jnp.float32),
        pltpu.SemaphoreType.DMA,
        pltpu.SemaphoreType.DMA,
    ],
    compiler_params=pltpu.CompilerParams(use_tc_tiling_on_sc=False),
  )


BT = 512


def _fc_body(emb_ref, w_ref, b_ref, out_ref):
    emb = emb_ref[...]
    norm = jnp.sqrt(jnp.sum(emb * emb, axis=1, keepdims=True))
    embn = emb / jnp.maximum(norm, 1e-12)
    out = lax.dot_general(w_ref[...], embn, (((1,), (1,)), ((), ())),
                          preferred_element_type=jnp.float32)
    out_ref[...] = out + b_ref[...]


def _fc(sums, W, b2d):
    return pl.pallas_call(
        _fc_body,
        grid=(BATCH // BT,),
        in_specs=[
            pl.BlockSpec((BT, D), lambda i: (i, 0)),
            pl.BlockSpec((OUT_DIM, D), lambda i: (0, 0)),
            pl.BlockSpec((OUT_DIM, 1), lambda i: (0, 0)),
        ],
        out_specs=pl.BlockSpec((OUT_DIM, BT), lambda i: (0, i)),
        out_shape=jax.ShapeDtypeStruct((OUT_DIM, BATCH), jnp.float32),
    )(sums, W, b2d)


def kernel(name_idxs, name_len, desc_idxs, desc_len, union_idxs, union_len, table, W, b):
    idx = union_idxs.astype(jnp.int32)
    idx = jnp.where(idx < SPLIT, 2 * idx, 2 * (idx - SPLIT) + 1)
    table_lin = _relayout(table.T).reshape(2 * SPLIT, D)
    sums = _make_bag_sum()(idx, table_lin)
    return _fc(sums, W, b.reshape(OUT_DIM, 1)).T

# --- scband reference (transcript-rebuilt; emitter-appended) ---
"""Pipeline reference for scband-union-mean-embedding-model-8813272892039 (READ-ONLY COPY).

The authoritative reference and input builder live on the scoring server;
editing this copy changes nothing except your own understanding.
"""

import jax, jax.numpy as jnp
import numpy as np

VOCAB = 1000000
EMB_DIM = 64
OUT_DIM = 1000
BATCH = 4096


def setup_inputs(seed: int = 0) -> dict:
    key = jax.random.key(seed)
    k_tab, k_w, k_b, k1, k2, k3, k4, k5, k6 = jax.random.split(key, 9)
    table = jax.random.normal(k_tab, (VOCAB, EMB_DIM), dtype=jnp.float32) * 0.1
    # xavier_uniform for fc weight [OUT_DIM, EMB_DIM]
    limit = float(np.sqrt(6.0 / (EMB_DIM + OUT_DIM)))
    W = jax.random.uniform(k_w, (OUT_DIM, EMB_DIM), dtype=jnp.float32, minval=-limit, maxval=limit)
    b = jnp.zeros((OUT_DIM,), dtype=jnp.float32)
    name_idxs = jax.random.randint(k1, (BATCH, 50), 0, VOCAB, dtype=jnp.int64 if jax.config.jax_enable_x64 else jnp.int32)
    name_len = jax.random.randint(k2, (BATCH,), 0, 50)
    desc_idxs = jax.random.randint(k3, (BATCH, 200), 0, VOCAB)
    desc_len = jax.random.randint(k4, (BATCH,), 0, 200)
    union_idxs = jax.random.randint(k5, (BATCH, 200), 0, VOCAB)
    union_len = jax.random.randint(k6, (BATCH,), 0, 200)
    return {
        "name_idxs": name_idxs,
        "name_len": name_len,
        "desc_idxs": desc_idxs,
        "desc_len": desc_len,
        "union_idxs": union_idxs,
        "union_len": union_len,
        "table": table,
        "W": W,
        "b": b,
    }


def reference(name_idxs, name_len, desc_idxs, desc_len, union_idxs, union_len, table, W, b):
    # _calc_emb on union text: gather -> sum over sequence -> L2 normalize
    emb = jnp.take(table, union_idxs, axis=0)  # [B, L, D]
    emb = jnp.sum(emb, axis=1)                 # [B, D]
    norm = jnp.linalg.norm(emb, axis=1, keepdims=True)
    emb = emb / jnp.maximum(norm, 1e-12)       # F.normalize(dim=1)
    # dropout is identity in eval mode
    logits = emb @ W.T + b                     # fc
    return logits

if __name__ == "__main__":
    import jax
    _d = setup_inputs()
    print(jax.jit(kernel)(*tuple(_d.values())))

</pallas_src>

<mosaic_0001>
#map = affine_map<(d0, d1) -> (0, 0)>
module attributes {stable_mosaic.version = 14 : i64} {
  func.func @_bag_body(%arg0: i32, %arg1: i32, %arg2: memref<4096x200xi32, #tpu.memory_space<hbm>>, %arg3: memref<1003520x64xf32, #tpu.memory_space<hbm>>, %arg4: memref<4096x64xf32, #tpu.memory_space<hbm>>, %arg5: memref<128x200xi32, #tpu.memory_space<vmem>>, %arg6: memref<200x64xf32, #tpu.memory_space<vmem>>, %arg7: memref<200x64xf32, #tpu.memory_space<vmem>>, %arg8: memref<128x64xf32, #tpu.memory_space<vmem>>, %arg9: memref<!tpu.dma_semaphore, #tpu.memory_space<semaphore_mem>>, %arg10: memref<!tpu.dma_semaphore, #tpu.memory_space<semaphore_mem>>) attributes {dimension_semantics = [#tpu.dimension_semantics<core_parallel>, #tpu.dimension_semantics<subcore_parallel>], iteration_bounds = array<i64: 2, 16>, scalar_prefetch = 0 : i64, scratch_operands = 6 : i64, tpu.core_type = #tpu.core_type<sc_vector_subcore>, window_params = [{transform_indices = #map}, {transform_indices = #map}, {transform_indices = #map}]} {
    %mul3A = arith.constant 2 : i32
    %mul3A_0 = arith.muli %arg1, %mul3A : i32
    %add3A = arith.addi %mul3A_0, %arg0 : i32
    %mul3A_1 = arith.constant 128 : i32
    %mul3A_2 = arith.muli %add3A, %mul3A_1 : i32
    "tpu.region"() ({
      %run_scoped3A = tpu.sem_alloc : memref<!tpu.dma_semaphore, #tpu.memory_space<semaphore_mem>>
      %dma_start3A_57 = arith.constant 0 : i32
      %dma_start3A_58 = tpu.memref_slice %arg2[%mul3A_2, %dma_start3A_57] : memref<4096x200xi32, #tpu.memory_space<hbm>> -> memref<128x200xi32, #tpu.memory_space<hbm>>
      %dma_start3A_59 = arith.constant 0 : i32
      %dma_start3A_60 = tpu.memref_slice %arg2[%mul3A_2, %dma_start3A_59] : memref<4096x200xi32, #tpu.memory_space<hbm>> -> memref<128x200xi32, #tpu.memory_space<hbm>>
      tpu.enqueue_dma source(%dma_start3A_60 : memref<128x200xi32, #tpu.memory_space<hbm>>) target(%arg5 : memref<128x200xi32, #tpu.memory_space<vmem>>) target_semaphore(%run_scoped3A : memref<!tpu.dma_semaphore, #tpu.memory_space<semaphore_mem>>)
      %dma_wait3A = arith.constant 0 : i32
      %dma_wait3A_61 = tpu.memref_slice %arg2[%mul3A_2, %dma_wait3A] : memref<4096x200xi32, #tpu.memory_space<hbm>> -> memref<128x200xi32, #tpu.memory_space<hbm>>
      %dma_wait3A_62 = arith.constant 0 : i32
      %dma_wait3A_63 = tpu.memref_slice %arg2[%mul3A_2, %dma_wait3A_62] : memref<4096x200xi32, #tpu.memory_space<hbm>> -> memref<128x200xi32, #tpu.memory_space<hbm>>
      tpu.wait_dma2 semaphore(%run_scoped3A : memref<!tpu.dma_semaphore, #tpu.memory_space<semaphore_mem>>) src(%dma_wait3A_63 : memref<128x200xi32, #tpu.memory_space<hbm>>) dst(%arg5 : memref<128x200xi32, #tpu.memory_space<vmem>>)
      tpu.yield
    }) : () -> ()
    %dma_start3A = arith.constant 0 : i32
    %dma_start3A_3 = arith.constant 0 : i32
    %dma_start3A_4 = arith.constant 0 : i32
    %dma_start3A_5 = tpu.memref_slice %arg6[%dma_start3A_3, %dma_start3A_4] : memref<200x64xf32, #tpu.memory_space<vmem>> -> memref<40x64xf32, #tpu.memory_space<vmem>>
    %dma_start3A_6 = arith.constant 0 : i32
    %dma_start3A_7 = tpu.memref_slice %arg5[%dma_start3A, %dma_start3A_6] : memref<128x200xi32, #tpu.memory_space<vmem>> -> memref<1x40xi32, #tpu.memory_space<vmem>>
    %dma_start3A_8 = tpu.memref_squeeze %dma_start3A_7 : memref<1x40xi32, #tpu.memory_space<vmem>> -> memref<40xi32, #tpu.memory_space<vmem>>
    %dma_start3A_9 = arith.constant 0 : i32
    %dma_start3A_10 = arith.constant 0 : i32
    %dma_start3A_11 = tpu.memref_slice %arg3[%dma_start3A_9, %dma_start3A_10] : memref<1003520x64xf32, #tpu.memory_space<hbm>> -> memref<1003520x64xf32, #tpu.memory_space<hbm>>
    tpu.enqueue_indirect_dma source(%dma_start3A_11 : memref<1003520x64xf32, #tpu.memory_space<hbm>>) target(%dma_start3A_5 : memref<40x64xf32, #tpu.memory_space<vmem>>) offsets(%dma_start3A_8 : memref<40xi32, #tpu.memory_space<vmem>>) semaphore(%arg9 : memref<!tpu.dma_semaphore, #tpu.memory_space<semaphore_mem>>)
    %dma_start3A_12 = arith.constant 0 : i32
    %dma_start3A_13 = arith.constant 40 : i32
    %dma_start3A_14 = arith.constant 0 : i32
    %dma_start3A_15 = tpu.memref_slice %arg6[%dma_start3A_13, %dma_start3A_14] : memref<200x64xf32, #tpu.memory_space<vmem>> -> memref<40x64xf32, #tpu.memory_space<vmem>>
    %dma_start3A_16 = arith.constant 40 : i32
    %dma_start3A_17 = tpu.memref_slice %arg5[%dma_start3A_12, %dma_start3A_16] : memref<128x200xi32, #tpu.memory_space<vmem>> -> memref<1x40xi32, #tpu.memory_space<vmem>>
    %dma_start3A_18 = tpu.memref_squeeze %dma_start3A_17 : memref<1x40xi32, #tpu.memory_space<vmem>> -> memref<40xi32, #tpu.memory_space<vmem>>
    %dma_start3A_19 = arith.constant 0 : i32
    %dma_start3A_20 = arith.constant 0 : i32
    %dma_start3A_21 = tpu.memref_slice %arg3[%dma_start3A_19, %dma_start3A_20] : memref<1003520x64xf32, #tpu.memory_space<hbm>> -> memref<1003520x64xf32, #tpu.memory_space<hbm>>
    tpu.enqueue_indirect_dma source(%dma_start3A_21 : memref<1003520x64xf32, #tpu.memory_space<hbm>>) target(%dma_start3A_15 : memref<40x64xf32, #tpu.memory_space<vmem>>) offsets(%dma_start3A_18 : memref<40xi32, #tpu.memory_space<vmem>>) semaphore(%arg9 : memref<!tpu.dma_semaphore, #tpu.memory_space<semaphore_mem>>)
    %dma_start3A_22 = arith.constant 0 : i32
    %dma_start3A_23 = arith.constant 80 : i32
    %dma_start3A_24 = arith.constant 0 : i32
    %dma_start3A_25 = tpu.memref_slice %arg6[%dma_start3A_23, %dma_start3A_24] : memref<200x64xf32, #tpu.memory_space<vmem>> -> memref<40x64xf32, #tpu.memory_space<vmem>>
    %dma_start3A_26 = arith.constant 80 : i32
    %dma_start3A_27 = tpu.memref_slice %arg5[%dma_start3A_22, %dma_start3A_26] : memref<128x200xi32, #tpu.memory_space<vmem>> -> memref<1x40xi32, #tpu.memory_space<vmem>>
    %dma_start3A_28 = tpu.memref_squeeze %dma_start3A_27 : memref<1x40xi32, #tpu.memory_space<vmem>> -> memref<40xi32, #tpu.memory_space<vmem>>
    %dma_start3A_29 = arith.constant 0 : i32
    %dma_start3A_30 = arith.constant 0 : i32
    %dma_start3A_31 = tpu.memref_slice %arg3[%dma_start3A_29, %dma_start3A_30] : memref<1003520x64xf32, #tpu.memory_space<hbm>> -> memref<1003520x64xf32, #tpu.memory_space<hbm>>
    tpu.enqueue_indirect_dma source(%dma_start3A_31 : memref<1003520x64xf32, #tpu.memory_space<hbm>>) target(%dma_start3A_25 : memref<40x64xf32, #tpu.memory_space<vmem>>) offsets(%dma_start3A_28 : memref<40xi32, #tpu.memory_space<vmem>>) semaphore(%arg9 : memref<!tpu.dma_semaphore, #tpu.memory_space<semaphore_mem>>)
    %dma_start3A_32 = arith.constant 0 : i32
    %dma_start3A_33 = arith.constant 120 : i32
    %dma_start3A_34 = arith.constant 0 : i32
    %dma_start3A_35 = tpu.memref_slice %arg6[%dma_start3A_33, %dma_start3A_34] : memref<200x64xf32, #tpu.memory_space<vmem>> -> memref<40x64xf32, #tpu.memory_space<vmem>>
    %dma_start3A_36 = arith.constant 120 : i32
    %dma_start3A_37 = tpu.memref_slice %arg5[%dma_start3A_32, %dma_start3A_36] : memref<128x200xi32, #tpu.memory_space<vmem>> -> memref<1x40xi32, #tpu.memory_space<vmem>>
    %dma_start3A_38 = tpu.memref_squeeze %dma_start3A_37 : memref<1x40xi32, #tpu.memory_space<vmem>> -> memref<40xi32, #tpu.memory_space<vmem>>
    %dma_start3A_39 = arith.constant 0 : i32
    %dma_start3A_40 = arith.constant 0 : i32
    %dma_start3A_41 = tpu.memref_slice %arg3[%dma_start3A_39, %dma_start3A_40] : memref<1003520x64xf32, #tpu.memory_space<hbm>> -> memref<1003520x64xf32, #tpu.memory_space<hbm>>
    tpu.enqueue_indirect_dma source(%dma_start3A_41 : memref<1003520x64xf32, #tpu.memory_space<hbm>>) target(%dma_start3A_35 : memref<40x64xf32, #tpu.memory_space<vmem>>) offsets(%dma_start3A_38 : memref<40xi32, #tpu.memory_space<vmem>>) semaphore(%arg9 : memref<!tpu.dma_semaphore, #tpu.memory_space<semaphore_mem>>)
    %dma_start3A_42 = arith.constant 0 : i32
    %dma_start3A_43 = arith.constant 160 : i32
    %dma_start3A_44 = arith.constant 0 : i32
    %dma_start3A_45 = tpu.memref_slice %arg6[%dma_start3A_43, %dma_start3A_44] : memref<200x64xf32, #tpu.memory_space<vmem>> -> memref<40x64xf32, #tpu.memory_space<vmem>>
    %dma_start3A_46 = arith.constant 160 : i32
    %dma_start3A_47 = tpu.memref_slice %arg5[%dma_start3A_42, %dma_start3A_46] : memref<128x200xi32, #tpu.memory_space<vmem>> -> memref<1x40xi32, #tpu.memory_space<vmem>>
    %dma_start3A_48 = tpu.memref_squeeze %dma_start3A_47 : memref<1x40xi32, #tpu.memory_space<vmem>> -> memref<40xi32, #tpu.memory_space<vmem>>
    %dma_start3A_49 = arith.constant 0 : i32
    %dma_start3A_50 = arith.constant 0 : i32
    %dma_start3A_51 = tpu.memref_slice %arg3[%dma_start3A_49, %dma_start3A_50] : memref<1003520x64xf32, #tpu.memory_space<hbm>> -> memref<1003520x64xf32, #tpu.memory_space<hbm>>
    tpu.enqueue_indirect_dma source(%dma_start3A_51 : memref<1003520x64xf32, #tpu.memory_space<hbm>>) target(%dma_start3A_45 : memref<40x64xf32, #tpu.memory_space<vmem>>) offsets(%dma_start3A_48 : memref<40xi32, #tpu.memory_space<vmem>>) semaphore(%arg9 : memref<!tpu.dma_semaphore, #tpu.memory_space<semaphore_mem>>)
    %scan3A = arith.constant 0 : i32
    %scan3A_52 = arith.constant 0 : i32
    %scan3A_53 = arith.constant 64 : i32
    %scan3A_54 = arith.addi %scan3A_52, %scan3A_53 : i32
    %scan3A_55 = arith.constant 1 : i32
    scf.for %scan3A_57 = %scan3A_52 to %scan3A_54 step %scan3A_55  : i32 {
      %mul3A_58 = arith.constant 2 : i32
      %mul3A_59 = arith.muli %scan3A_57, %mul3A_58 : i32
      %add3A_60 = arith.constant 0 : i32
      %add3A_61 = arith.addi %mul3A_59, %add3A_60 : i32
      %add3A_62 = arith.constant 1 : i32
      %add3A_63 = arith.addi %add3A_61, %add3A_62 : i32
      %lt3A = arith.constant 128 : i32
      %lt3A_64 = arith.cmpi slt, %add3A_63, %lt3A : i32
      %convert_element_type3A = arith.extui %lt3A_64 : i1 to i32
      %cond3A = arith.constant 0 : i32
      %cond3A_65 = arith.cmpi ne, %convert_element_type3A, %cond3A : i32
      scf.if %cond3A_65 {
        %add3A_242 = arith.constant 1 : i32
        %add3A_243 = arith.addi %add3A_61, %add3A_242 : i32
        %dma_start3A_244 = arith.constant 0 : i32
        %dma_start3A_245 = arith.constant 0 : i32
        %dma_start3A_246 = tpu.memref_slice %arg7[%dma_start3A_244, %dma_start3A_245] : memref<200x64xf32, #tpu.memory_space<vmem>> -> memref<40x64xf32, #tpu.memory_space<vmem>>
        %dma_start3A_247 = arith.constant 0 : i32
        %dma_start3A_248 = tpu.memref_slice %arg5[%add3A_243, %dma_start3A_247] : memref<128x200xi32, #tpu.memory_space<vmem>> -> memref<1x40xi32, #tpu.memory_space<vmem>>
        %dma_start3A_249 = tpu.memref_squeeze %dma_start3A_248 : memref<1x40xi32, #tpu.memory_space<vmem>> -> memref<40xi32, #tpu.memory_space<vmem>>
        %dma_start3A_250 = arith.constant 0 : i32
        %dma_start3A_251 = arith.constant 0 : i32
        %dma_start3A_252 = tpu.memref_slice %arg3[%dma_start3A_250, %dma_start3A_251] : memref<1003520x64xf32, #tpu.memory_space<hbm>> -> memref<1003520x64xf32, #tpu.memory_space<hbm>>
        tpu.enqueue_indirect_dma source(%dma_start3A_252 : memref<1003520x64xf32, #tpu.memory_space<hbm>>) target(%dma_start3A_246 : memref<40x64xf32, #tpu.memory_space<vmem>>) offsets(%dma_start3A_249 : memref<40xi32, #tpu.memory_space<vmem>>) semaphore(%arg10 : memref<!tpu.dma_semaphore, #tpu.memory_space<semaphore_mem>>)
        %dma_start3A_253 = arith.constant 40 : i32
        %dma_start3A_254 = arith.constant 0 : i32
        %dma_start3A_255 = tpu.memref_slice %arg7[%dma_start3A_253, %dma_start3A_254] : memref<200x64xf32, #tpu.memory_space<vmem>> -> memref<40x64xf32, #tpu.memory_space<vmem>>
        %dma_start3A_256 = arith.constant 40 : i32
        %dma_start3A_257 = tpu.memref_slice %arg5[%add3A_243, %dma_start3A_256] : memref<128x200xi32, #tpu.memory_space<vmem>> -> memref<1x40xi32, #tpu.memory_space<vmem>>
        %dma_start3A_258 = tpu.memref_squeeze %dma_start3A_257 : memref<1x40xi32, #tpu.memory_space<vmem>> -> memref<40xi32, #tpu.memory_space<vmem>>
        %dma_start3A_259 = arith.constant 0 : i32
        %dma_start3A_260 = arith.constant 0 : i32
        %dma_start3A_261 = tpu.memref_slice %arg3[%dma_start3A_259, %dma_start3A_260] : memref<1003520x64xf32, #tpu.memory_space<hbm>> -> memref<1003520x64xf32, #tpu.memory_space<hbm>>
        tpu.enqueue_indirect_dma source(%dma_start3A_261 : memref<1003520x64xf32, #tpu.memory_space<hbm>>) target(%dma_start3A_255 : memref<40x64xf32, #tpu.memory_space<vmem>>) offsets(%dma_start3A_258 : memref<40xi32, #tpu.memory_space<vmem>>) semaphore(%arg10 : memref<!tpu.dma_semaphore, #tpu.memory_space<semaphore_mem>>)
        %dma_start3A_262 = arith.constant 80 : i32
        %dma_start3A_263 = arith.constant 0 : i32
        %dma_start3A_264 = tpu.memref_slice %arg7[%dma_start3A_262, %dma_start3A_263] : memref<200x64xf32, #tpu.memory_space<vmem>> -> memref<40x64xf32, #tpu.memory_space<vmem>>
        %dma_start3A_265 = arith.constant 80 : i32
        %dma_start3A_266 = tpu.memref_slice %arg5[%add3A_243, %dma_start3A_265] : memref<128x200xi32, #tpu.memory_space<vmem>> -> memref<1x40xi32, #tpu.memory_space<vmem>>
        %dma_start3A_267 = tpu.memref_squeeze %dma_start3A_266 : memref<1x40xi32, #tpu.memory_space<vmem>> -> memref<40xi32, #tpu.memory_space<vmem>>
        %dma_start3A_268 = arith.constant 0 : i32
        %dma_start3A_269 = arith.constant 0 : i32
        %dma_start3A_270 = tpu.memref_slice %arg3[%dma_start3A_268, %dma_start3A_269] : memref<1003520x64xf32, #tpu.memory_space<hbm>> -> memref<1003520x64xf32, #tpu.memory_space<hbm>>
        tpu.enqueue_indirect_dma source(%dma_start3A_270 : memref<1003520x64xf32, #tpu.memory_space<hbm>>) target(%dma_start3A_264 : memref<40x64xf32, #tpu.memory_space<vmem>>) offsets(%dma_start3A_267 : memref<40xi32, #tpu.memory_space<vmem>>) semaphore(%arg10 : memref<!tpu.dma_semaphore, #tpu.memory_space<semaphore_mem>>)
        %dma_start3A_271 = arith.constant 120 : i32
        %dma_start3A_272 = arith.constant 0 : i32
        %dma_start3A_273 = tpu.memref_slice %arg7[%dma_start3A_271, %dma_start3A_272] : memref<200x64xf32, #tpu.memory_space<vmem>> -> memref<40x64xf32, #tpu.memory_space<vmem>>
        %dma_start3A_274 = arith.constant 120 : i32
        %dma_start3A_275 = tpu.memref_slice %arg5[%add3A_243, %dma_start3A_274] : memref<128x200xi32, #tpu.memory_space<vmem>> -> memref<1x40xi32, #tpu.memory_space<vmem>>
        %dma_start3A_276 = tpu.memref_squeeze %dma_start3A_275 : memref<1x40xi32, #tpu.memory_space<vmem>> -> memref<40xi32, #tpu.memory_space<vmem>>
        %dma_start3A_277 = arith.constant 0 : i32
        %dma_start3A_278 = arith.constant 0 : i32
        %dma_start3A_279 = tpu.memref_slice %arg3[%dma_start3A_277, %dma_start3A_278] : memref<1003520x64xf32, #tpu.memory_space<hbm>> -> memref<1003520x64xf32, #tpu.memory_space<hbm>>
        tpu.enqueue_indirect_dma source(%dma_start3A_279 : memref<1003520x64xf32, #tpu.memory_space<hbm>>) target(%dma_start3A_273 : memref<40x64xf32, #tpu.memory_space<vmem>>) offsets(%dma_start3A_276 : memref<40xi32, #tpu.memory_space<vmem>>) semaphore(%arg10 : memref<!tpu.dma_semaphore, #tpu.memory_space<semaphore_mem>>)
        %dma_start3A_280 = arith.constant 160 : i32
        %dma_start3A_281 = arith.constant 0 : i32
        %dma_start3A_282 = tpu.memref_slice %arg7[%dma_start3A_280, %dma_start3A_281] : memref<200x64xf32, #tpu.memory_space<vmem>> -> memref<40x64xf32, #tpu.memory_space<vmem>>
        %dma_start3A_283 = arith.constant 160 : i32
        %dma_start3A_284 = tpu.memref_slice %arg5[%add3A_243, %dma_start3A_283] : memref<128x200xi32, #tpu.memory_space<vmem>> -> memref<1x40xi32, #tpu.memory_space<vmem>>
        %dma_start3A_285 = tpu.memref_squeeze %dma_start3A_284 : memref<1x40xi32, #tpu.memory_space<vmem>> -> memref<40xi32, #tpu.memory_space<vmem>>
        %dma_start3A_286 = arith.constant 0 : i32
        %dma_start3A_287 = arith.constant 0 : i32
        %dma_start3A_288 = tpu.memref_slice %arg3[%dma_start3A_286, %dma_start3A_287] : memref<1003520x64xf32, #tpu.memory_space<hbm>> -> memref<1003520x64xf32, #tpu.memory_space<hbm>>
        tpu.enqueue_indirect_dma source(%dma_start3A_288 : memref<1003520x64xf32, #tpu.memory_space<hbm>>) target(%dma_start3A_282 : memref<40x64xf32, #tpu.memory_space<vmem>>) offsets(%dma_start3A_285 : memref<40xi32, #tpu.memory_space<vmem>>) semaphore(%arg10 : memref<!tpu.dma_semaphore, #tpu.memory_space<semaphore_mem>>)
      } else {
      }
      %dma_wait3A = arith.constant 0 : i32
      %dma_wait3A_66 = arith.constant 0 : i32
      %dma_wait3A_67 = arith.constant 0 : i32
      %dma_wait3A_68 = tpu.memref_slice %arg6[%dma_wait3A_66, %dma_wait3A_67] : memref<200x64xf32, #tpu.memory_space<vmem>> -> memref<40x64xf32, #tpu.memory_space<vmem>>
      %dma_wait3A_69 = arith.constant 0 : i32
      %dma_wait3A_70 = tpu.memref_slice %arg5[%dma_wait3A, %dma_wait3A_69] : memref<128x200xi32, #tpu.memory_space<vmem>> -> memref<1x40xi32, #tpu.memory_space<vmem>>
      %dma_wait3A_71 = tpu.memref_squeeze %dma_wait3A_70 : memref<1x40xi32, #tpu.memory_space<vmem>> -> memref<40xi32, #tpu.memory_space<vmem>>
      %dma_wait3A_72 = arith.constant 0 : i32
      %dma_wait3A_73 = arith.constant 0 : i32
      %dma_wait3A_74 = tpu.memref_slice %arg3[%dma_wait3A_72, %dma_wait3A_73] : memref<1003520x64xf32, #tpu.memory_space<hbm>> -> memref<1003520x64xf32, #tpu.memory_space<hbm>>
      tpu.wait_indirect_dma semaphore(%arg9 : memref<!tpu.dma_semaphore, #tpu.memory_space<semaphore_mem>>) src(%dma_wait3A_74 : memref<1003520x64xf32, #tpu.memory_space<hbm>>) dst(%dma_wait3A_68 : memref<40x64xf32, #tpu.memory_space<vmem>>)
      %dma_wait3A_75 = arith.constant 0 : i32
      %dma_wait3A_76 = arith.constant 40 : i32
      %dma_wait3A_77 = arith.constant 0 : i32
      %dma_wait3A_78 = tpu.memref_slice %arg6[%dma_wait3A_76, %dma_wait3A_77] : memref<200x64xf32, #tpu.memory_space<vmem>> -> memref<40x64xf32, #tpu.memory_space<vmem>>
      %dma_wait3A_79 = arith.constant 0 : i32
      %dma_wait3A_80 = tpu.memref_slice %arg5[%dma_wait3A_75, %dma_wait3A_79] : memref<128x200xi32, #tpu.memory_space<vmem>> -> memref<1x40xi32, #tpu.memory_space<vmem>>
      %dma_wait3A_81 = tpu.memref_squeeze %dma_wait3A_80 : memref<1x40xi32, #tpu.memory_space<vmem>> -> memref<40xi32, #tpu.memory_space<vmem>>
      %dma_wait3A_82 = arith.constant 0 : i32
      %dma_wait3A_83 = arith.constant 0 : i32
      %dma_wait3A_84 = tpu.memref_slice %arg3[%dma_wait3A_82, %dma_wait3A_83] : memref<1003520x64xf32, #tpu.memory_space<hbm>> -> memref<1003520x64xf32, #tpu.memory_space<hbm>>
      tpu.wait_indirect_dma semaphore(%arg9 : memref<!tpu.dma_semaphore, #tpu.memory_space<semaphore_mem>>) src(%dma_wait3A_84 : memref<1003520x64xf32, #tpu.memory_space<hbm>>) dst(%dma_wait3A_78 : memref<40x64xf32, #tpu.memory_space<vmem>>)
      %dma_wait3A_85 = arith.constant 0 : i32
      %dma_wait3A_86 = arith.constant 80 : i32
      %dma_wait3A_87 = arith.constant 0 : i32
      %dma_wait3A_88 = tpu.memref_slice %arg6[%dma_wait3A_86, %dma_wait3A_87] : memref<200x64xf32, #tpu.memory_space<vmem>> -> memref<40x64xf32, #tpu.memory_space<vmem>>
      %dma_wait3A_89 = arith.constant 0 : i32
      %dma_wait3A_90 = tpu.memref_slice %arg5[%dma_wait3A_85, %dma_wait3A_89] : memref<128x200xi32, #tpu.memory_space<vmem>> -> memref<1x40xi32, #tpu.memory_space<vmem>>
      %dma_wait3A_91 = tpu.memref_squeeze %dma_wait3A_90 : memref<1x40xi32, #tpu.memory_space<vmem>> -> memref<40xi32, #tpu.memory_space<vmem>>
      %dma_wait3A_92 = arith.constant 0 : i32
      %dma_wait3A_93 = arith.constant 0 : i32
      %dma_wait3A_94 = tpu.memref_slice %arg3[%dma_wait3A_92, %dma_wait3A_93] : memref<1003520x64xf32, #tpu.memory_space<hbm>> -> memref<1003520x64xf32, #tpu.memory_space<hbm>>
      tpu.wait_indirect_dma semaphore(%arg9 : memref<!tpu.dma_semaphore, #tpu.memory_space<semaphore_mem>>) src(%dma_wait3A_94 : memref<1003520x64xf32, #tpu.memory_space<hbm>>) dst(%dma_wait3A_88 : memref<40x64xf32, #tpu.memory_space<vmem>>)
      %dma_wait3A_95 = arith.constant 0 : i32
      %dma_wait3A_96 = arith.constant 120 : i32
      %dma_wait3A_97 = arith.constant 0 : i32
      %dma_wait3A_98 = tpu.memref_slice %arg6[%dma_wait3A_96, %dma_wait3A_97] : memref<200x64xf32, #tpu.memory_space<vmem>> -> memref<40x64xf32, #tpu.memory_space<vmem>>
      %dma_wait3A_99 = arith.constant 0 : i32
      %dma_wait3A_100 = tpu.memref_slice %arg5[%dma_wait3A_95, %dma_wait3A_99] : memref<128x200xi32, #tpu.memory_space<vmem>> -> memref<1x40xi32, #tpu.memory_space<vmem>>
      %dma_wait3A_101 = tpu.memref_squeeze %dma_wait3A_100 : memref<1x40xi32, #tpu.memory_space<vmem>> -> memref<40xi32, #tpu.memory_space<vmem>>
      %dma_wait3A_102 = arith.constant 0 : i32
      %dma_wait3A_103 = arith.constant 0 : i32
      %dma_wait3A_104 = tpu.memref_slice %arg3[%dma_wait3A_102, %dma_wait3A_103] : memref<1003520x64xf32, #tpu.memory_space<hbm>> -> memref<1003520x64xf32, #tpu.memory_space<hbm>>
      tpu.wait_indirect_dma semaphore(%arg9 : memref<!tpu.dma_semaphore, #tpu.memory_space<semaphore_mem>>) src(%dma_wait3A_104 : memref<1003520x64xf32, #tpu.memory_space<hbm>>) dst(%dma_wait3A_98 : memref<40x64xf32, #tpu.memory_space<vmem>>)
      %dma_wait3A_105 = arith.constant 0 : i32
      %dma_wait3A_106 = arith.constant 160 : i32
      %dma_wait3A_107 = arith.constant 0 : i32
      %dma_wait3A_108 = tpu.memref_slice %arg6[%dma_wait3A_106, %dma_wait3A_107] : memref<200x64xf32, #tpu.memory_space<vmem>> -> memref<40x64xf32, #tpu.memory_space<vmem>>
      %dma_wait3A_109 = arith.constant 0 : i32
      %dma_wait3A_110 = tpu.memref_slice %arg5[%dma_wait3A_105, %dma_wait3A_109] : memref<128x200xi32, #tpu.memory_space<vmem>> -> memref<1x40xi32, #tpu.memory_space<vmem>>
      %dma_wait3A_111 = tpu.memref_squeeze %dma_wait3A_110 : memref<1x40xi32, #tpu.memory_space<vmem>> -> memref<40xi32, #tpu.memory_space<vmem>>
      %dma_wait3A_112 = arith.constant 0 : i32
      %dma_wait3A_113 = arith.constant 0 : i32
      %dma_wait3A_114 = tpu.memref_slice %arg3[%dma_wait3A_112, %dma_wait3A_113] : memref<1003520x64xf32, #tpu.memory_space<hbm>> -> memref<1003520x64xf32, #tpu.memory_space<hbm>>
      tpu.wait_indirect_dma semaphore(%arg9 : memref<!tpu.dma_semaphore, #tpu.memory_space<semaphore_mem>>) src(%dma_wait3A_114 : memref<1003520x64xf32, #tpu.memory_space<hbm>>) dst(%dma_wait3A_108 : memref<40x64xf32, #tpu.memory_space<vmem>>)
      %broadcast_in_dim3A = arith.constant 0.000000e+00 : f32
      %broadcast_in_dim3A_115 = vector.broadcast %broadcast_in_dim3A : f32 to vector<16xf32>
      %broadcast_in_dim3A_116 = arith.constant 0.000000e+00 : f32
      %broadcast_in_dim3A_117 = vector.broadcast %broadcast_in_dim3A_116 : f32 to vector<16xf32>
      %broadcast_in_dim3A_118 = arith.constant 0.000000e+00 : f32
      %broadcast_in_dim3A_119 = vector.broadcast %broadcast_in_dim3A_118 : f32 to vector<16xf32>
      %broadcast_in_dim3A_120 = arith.constant 0.000000e+00 : f32
      %broadcast_in_dim3A_121 = vector.broadcast %broadcast_in_dim3A_120 : f32 to vector<16xf32>
      %scan3A_122 = arith.constant 0 : i32
      %scan3A_123 = arith.constant 200 : i32
      %scan3A_124 = arith.addi %scan3A_122, %scan3A_123 : i32
      %scan3A_125 = arith.constant 8 : i32
      %scan3A_126:4 = scf.for %scan3A_242 = %scan3A_122 to %scan3A_124 step %scan3A_125 iter_args(%scan3A_243 = %broadcast_in_dim3A_115, %scan3A_244 = %broadcast_in_dim3A_117, %scan3A_245 = %broadcast_in_dim3A_119, %scan3A_246 = %broadcast_in_dim3A_121) -> (vector<16xf32>, vector<16xf32>, vector<16xf32>, vector<16xf32>)  : i32 {
        %get3A = arith.index_cast %scan3A_242 : i32 to index
        %get3A_247 = arith.constant 0 : index
        %get3A_248 = tpu.vector_load %arg6[%get3A, %get3A_247] {strides = array<i32>} : memref<200x64xf32, #tpu.memory_space<vmem>>, vector<1x16xf32>,
        %get3A_249 = vector.shape_cast %get3A_248 : vector<1x16xf32> to vector<16xf32>
        %add3A_250 = arith.addf %scan3A_243, %get3A_249 : vector<16xf32>
        %get3A_251 = arith.index_cast %scan3A_242 : i32 to index
        %get3A_252 = arith.constant 16 : index
        %get3A_253 = tpu.vector_load %arg6[%get3A_251, %get3A_252] {strides = array<i32>} : memref<200x64xf32, #tpu.memory_space<vmem>>, vector<1x16xf32>,
        %get3A_254 = vector.shape_cast %get3A_253 : vector<1x16xf32> to vector<16xf32>
        %add3A_255 = arith.addf %scan3A_244, %get3A_254 : vector<16xf32>
        %get3A_256 = arith.index_cast %scan3A_242 : i32 to index
        %get3A_257 = arith.constant 32 : index
        %get3A_258 = tpu.vector_load %arg6[%get3A_256, %get3A_257] {strides = array<i32>} : memref<200x64xf32, #tpu.memory_space<vmem>>, vector<1x16xf32>,
        %get3A_259 = vector.shape_cast %get3A_258 : vector<1x16xf32> to vector<16xf32>
        %add3A_260 = arith.addf %scan3A_245, %get3A_259 : vector<16xf32>
        %get3A_261 = arith.index_cast %scan3A_242 : i32 to index
        %get3A_262 = arith.constant 48 : index
        %get3A_263 = tpu.vector_load %arg6[%get3A_261, %get3A_262] {strides = array<i32>} : memref<200x64xf32, #tpu.memory_space<vmem>>, vector<1x16xf32>,
        %get3A_264 = vector.shape_cast %get3A_263 : vector<1x16xf32> to vector<16xf32>
        %add3A_265 = arith.addf %scan3A_246, %get3A_264 : vector<16xf32>
        %scan3A_266 = arith.constant 1 : i32
        %scan3A_267 = arith.addi %scan3A_242, %scan3A_266 : i32
        %get3A_268 = arith.index_cast %scan3A_267 : i32 to index
        %get3A_269 = arith.constant 0 : index
        %get3A_270 = tpu.vector_load %arg6[%get3A_268, %get3A_269] {strides = array<i32>} : memref<200x64xf32, #tpu.memory_space<vmem>>, vector<1x16xf32>,
        %get3A_271 = vector.shape_cast %get3A_270 : vector<1x16xf32> to vector<16xf32>
        %add3A_272 = arith.addf %add3A_250, %get3A_271 : vector<16xf32>
        %get3A_273 = arith.index_cast %scan3A_267 : i32 to index
        %get3A_274 = arith.constant 16 : index
        %get3A_275 = tpu.vector_load %arg6[%get3A_273, %get3A_274] {strides = array<i32>} : memref<200x64xf32, #tpu.memory_space<vmem>>, vector<1x16xf32>,
        %get3A_276 = vector.shape_cast %get3A_275 : vector<1x16xf32> to vector<16xf32>
        %add3A_277 = arith.addf %add3A_255, %get3A_276 : vector<16xf32>
        %get3A_278 = arith.index_cast %scan3A_267 : i32 to index
        %get3A_279 = arith.constant 32 : index
        %get3A_280 = tpu.vector_load %arg6[%get3A_278, %get3A_279] {strides = array<i32>} : memref<200x64xf32, #tpu.memory_space<vmem>>, vector<1x16xf32>,
        %get3A_281 = vector.shape_cast %get3A_280 : vector<1x16xf32> to vector<16xf32>
        %add3A_282 = arith.addf %add3A_260, %get3A_281 : vector<16xf32>
        %get3A_283 = arith.index_cast %scan3A_267 : i32 to index
        %get3A_284 = arith.constant 48 : index
        %get3A_285 = tpu.vector_load %arg6[%get3A_283, %get3A_284] {strides = array<i32>} : memref<200x64xf32, #tpu.memory_space<vmem>>, vector<1x16xf32>,
        %get3A_286 = vector.shape_cast %get3A_285 : vector<1x16xf32> to vector<16xf32>
        %add3A_287 = arith.addf %add3A_265, %get3A_286 : vector<16xf32>
        %scan3A_288 = arith.constant 2 : i32
        %scan3A_289 = arith.addi %scan3A_242, %scan3A_288 : i32
        %get3A_290 = arith.index_cast %scan3A_289 : i32 to index
        %get3A_291 = arith.constant 0 : index
        %get3A_292 = tpu.vector_load %arg6[%get3A_290, %get3A_291] {strides = array<i32>} : memref<200x64xf32, #tpu.memory_space<vmem>>, vector<1x16xf32>,
        %get3A_293 = vector.shape_cast %get3A_292 : vector<1x16xf32> to vector<16xf32>
        %add3A_294 = arith.addf %add3A_272, %get3A_293 : vector<16xf32>
        %get3A_295 = arith.index_cast %scan3A_289 : i32 to index
        %get3A_296 = arith.constant 16 : index
        %get3A_297 = tpu.vector_load %arg6[%get3A_295, %get3A_296] {strides = array<i32>} : memref<200x64xf32, #tpu.memory_space<vmem>>, vector<1x16xf32>,
        %get3A_298 = vector.shape_cast %get3A_297 : vector<1x16xf32> to vector<16xf32>
        %add3A_299 = arith.addf %add3A_277, %get3A_298 : vector<16xf32>
        %get3A_300 = arith.index_cast %scan3A_289 : i32 to index
        %get3A_301 = arith.constant 32 : index
        %get3A_302 = tpu.vector_load %arg6[%get3A_300, %get3A_301] {strides = array<i32>} : memref<200x64xf32, #tpu.memory_space<vmem>>, vector<1x16xf32>,
        %get3A_303 = vector.shape_cast %get3A_302 : vector<1x16xf32> to vector<16xf32>
        %add3A_304 = arith.addf %add3A_282, %get3A_303 : vector<16xf32>
        %get3A_305 = arith.index_cast %scan3A_289 : i32 to index
        %get3A_306 = arith.constant 48 : index
        %get3A_307 = tpu.vector_load %arg6[%get3A_305, %get3A_306] {strides = array<i32>} : memref<200x64xf32, #tpu.memory_space<vmem>>, vector<1x16xf32>,
        %get3A_308 = vector.shape_cast %get3A_307 : vector<1x16xf32> to vector<16xf32>
        %add3A_309 = arith.addf %add3A_287, %get3A_308 : vector<16xf32>
        %scan3A_310 = arith.constant 3 : i32
        %scan3A_311 = arith.addi %scan3A_242, %scan3A_310 : i32
        %get3A_312 = arith.index_cast %scan3A_311 : i32 to index
        %get3A_313 = arith.constant 0 : index
        %get3A_314 = tpu.vector_load %arg6[%get3A_312, %get3A_313] {strides = array<i32>} : memref<200x64xf32, #tpu.memory_space<vmem>>, vector<1x16xf32>,
        %get3A_315 = vector.shape_cast %get3A_314 : vector<1x16xf32> to vector<16xf32>
        %add3A_316 = arith.addf %add3A_294, %get3A_315 : vector<16xf32>
        %get3A_317 = arith.index_cast %scan3A_311 : i32 to index
        %get3A_318 = arith.constant 16 : index
        %get3A_319 = tpu.vector_load %arg6[%get3A_317, %get3A_318] {strides = array<i32>} : memref<200x64xf32, #tpu.memory_space<vmem>>, vector<1x16xf32>,
        %get3A_320 = vector.shape_cast %get3A_319 : vector<1x16xf32> to vector<16xf32>
        %add3A_321 = arith.addf %add3A_299, %get3A_320 : vector<16xf32>
        %get3A_322 = arith.index_cast %scan3A_311 : i32 to index
        %get3A_323 = arith.constant 32 : index
        %get3A_324 = tpu.vector_load %arg6[%get3A_322, %get3A_323] {strides = array<i32>} : memref<200x64xf32, #tpu.memory_space<vmem>>, vector<1x16xf32>,
        %get3A_325 = vector.shape_cast %get3A_324 : vector<1x16xf32> to vector<16xf32>
        %add3A_326 = arith.addf %add3A_304, %get3A_325 : vector<16xf32>
        %get3A_327 = arith.index_cast %scan3A_311 : i32 to index
        %get3A_328 = arith.constant 48 : index
        %get3A_329 = tpu.vector_load %arg6[%get3A_327, %get3A_328] {strides = array<i32>} : memref<200x64xf32, #tpu.memory_space<vmem>>, vector<1x16xf32>,
        %get3A_330 = vector.shape_cast %get3A_329 : vector<1x16xf32> to vector<16xf32>
        %add3A_331 = arith.addf %add3A_309, %get3A_330 : vector<16xf32>
        %scan3A_332 = arith.constant 4 : i32
        %scan3A_333 = arith.addi %scan3A_242, %scan3A_332 : i32
        %get3A_334 = arith.index_cast %scan3A_333 : i32 to index
        %get3A_335 = arith.constant 0 : index
        %get3A_336 = tpu.vector_load %arg6[%get3A_334, %get3A_335] {strides = array<i32>} : memref<200x64xf32, #tpu.memory_space<vmem>>, vector<1x16xf32>,
        %get3A_337 = vector.shape_cast %get3A_336 : vector<1x16xf32> to vector<16xf32>
        %add3A_338 = arith.addf %add3A_316, %get3A_337 : vector<16xf32>
        %get3A_339 = arith.index_cast %scan3A_333 : i32 to index
        %get3A_340 = arith.constant 16 : index
        %get3A_341 = tpu.vector_load %arg6[%get3A_339, %get3A_340] {strides = array<i32>} : memref<200x64xf32, #tpu.memory_space<vmem>>, vector<1x16xf32>,
        %get3A_342 = vector.shape_cast %get3A_341 : vector<1x16xf32> to vector<16xf32>
        %add3A_343 = arith.addf %add3A_321, %get3A_342 : vector<16xf32>
        %get3A_344 = arith.index_cast %scan3A_333 : i32 to index
        %get3A_345 = arith.constant 32 : index
        %get3A_346 = tpu.vector_load %arg6[%get3A_344, %get3A_345] {strides = array<i32>} : memref<200x64xf32, #tpu.memory_space<vmem>>, vector<1x16xf32>,
        %get3A_347 = vector.shape_cast %get3A_346 : vector<1x16xf32> to vector<16xf32>
        %add3A_348 = arith.addf %add3A_326, %get3A_347 : vector<16xf32>
        %get3A_349 = arith.index_cast %scan3A_333 : i32 to index
        %get3A_350 = arith.constant 48 : index
        %get3A_351 = tpu.vector_load %arg6[%get3A_349, %get3A_350] {strides = array<i32>} : memref<200x64xf32, #tpu.memory_space<vmem>>, vector<1x16xf32>,
        %get3A_352 = vector.shape_cast %get3A_351 : vector<1x16xf32> to vector<16xf32>
        %add3A_353 = arith.addf %add3A_331, %get3A_352 : vector<16xf32>
        %scan3A_354 = arith.constant 5 : i32
        %scan3A_355 = arith.addi %scan3A_242, %scan3A_354 : i32
        %get3A_356 = arith.index_cast %scan3A_355 : i32 to index
        %get3A_357 = arith.constant 0 : index
        %get3A_358 = tpu.vector_load %arg6[%get3A_356, %get3A_357] {strides = array<i32>} : memref<200x64xf32, #tpu.memory_space<vmem>>, vector<1x16xf32>,
        %get3A_359 = vector.shape_cast %get3A_358 : vector<1x16xf32> to vector<16xf32>
        %add3A_360 = arith.addf %add3A_338, %get3A_359 : vector<16xf32>
        %get3A_361 = arith.index_cast %scan3A_355 : i32 to index
        %get3A_362 = arith.constant 16 : index
        %get3A_363 = tpu.vector_load %arg6[%get3A_361, %get3A_362] {strides = array<i32>} : memref<200x64xf32, #tpu.memory_space<vmem>>, vector<1x16xf32>,
        %get3A_364 = vector.shape_cast %get3A_363 : vector<1x16xf32> to vector<16xf32>
        %add3A_365 = arith.addf %add3A_343, %get3A_364 : vector<16xf32>
        %get3A_366 = arith.index_cast %scan3A_355 : i32 to index
        %get3A_367 = arith.constant 32 : index
        %get3A_368 = tpu.vector_load %arg6[%get3A_366, %get3A_367] {strides = array<i32>} : memref<200x64xf32, #tpu.memory_space<vmem>>, vector<1x16xf32>,
        %get3A_369 = vector.shape_cast %get3A_368 : vector<1x16xf32> to vector<16xf32>
        %add3A_370 = arith.addf %add3A_348, %get3A_369 : vector<16xf32>
        %get3A_371 = arith.index_cast %scan3A_355 : i32 to index
        %get3A_372 = arith.constant 48 : index
        %get3A_373 = tpu.vector_load %arg6[%get3A_371, %get3A_372] {strides = array<i32>} : memref<200x64xf32, #tpu.memory_space<vmem>>, vector<1x16xf32>,
        %get3A_374 = vector.shape_cast %get3A_373 : vector<1x16xf32> to vector<16xf32>
        %add3A_375 = arith.addf %add3A_353, %get3A_374 : vector<16xf32>
        %scan3A_376 = arith.constant 6 : i32
        %scan3A_377 = arith.addi %scan3A_242, %scan3A_376 : i32
        %get3A_378 = arith.index_cast %scan3A_377 : i32 to index
        %get3A_379 = arith.constant 0 : index
        %get3A_380 = tpu.vector_load %arg6[%get3A_378, %get3A_379] {strides = array<i32>} : memref<200x64xf32, #tpu.memory_space<vmem>>, vector<1x16xf32>,
        %get3A_381 = vector.shape_cast %get3A_380 : vector<1x16xf32> to vector<16xf32>
        %add3A_382 = arith.addf %add3A_360, %get3A_381 : vector<16xf32>
        %get3A_383 = arith.index_cast %scan3A_377 : i32 to index
        %get3A_384 = arith.constant 16 : index
        %get3A_385 = tpu.vector_load %arg6[%get3A_383, %get3A_384] {strides = array<i32>} : memref<200x64xf32, #tpu.memory_space<vmem>>, vector<1x16xf32>,
        %get3A_386 = vector.shape_cast %get3A_385 : vector<1x16xf32> to vector<16xf32>
        %add3A_387 = arith.addf %add3A_365, %get3A_386 : vector<16xf32>
        %get3A_388 = arith.index_cast %scan3A_377 : i32 to index
        %get3A_389 = arith.constant 32 : index
        %get3A_390 = tpu.vector_load %arg6[%get3A_388, %get3A_389] {strides = array<i32>} : memref<200x64xf32, #tpu.memory_space<vmem>>, vector<1x16xf32>,
        %get3A_391 = vector.shape_cast %get3A_390 : vector<1x16xf32> to vector<16xf32>
        %add3A_392 = arith.addf %add3A_370, %get3A_391 : vector<16xf32>
        %get3A_393 = arith.index_cast %scan3A_377 : i32 to index
        %get3A_394 = arith.constant 48 : index
        %get3A_395 = tpu.vector_load %arg6[%get3A_393, %get3A_394] {strides = array<i32>} : memref<200x64xf32, #tpu.memory_space<vmem>>, vector<1x16xf32>,
        %get3A_396 = vector.shape_cast %get3A_395 : vector<1x16xf32> to vector<16xf32>
        %add3A_397 = arith.addf %add3A_375, %get3A_396 : vector<16xf32>
        %scan3A_398 = arith.constant 7 : i32
        %scan3A_399 = arith.addi %scan3A_242, %scan3A_398 : i32
        %get3A_400 = arith.index_cast %scan3A_399 : i32 to index
        %get3A_401 = arith.constant 0 : index
        %get3A_402 = tpu.vector_load %arg6[%get3A_400, %get3A_401] {strides = array<i32>} : memref<200x64xf32, #tpu.memory_space<vmem>>, vector<1x16xf32>,
        %get3A_403 = vector.shape_cast %get3A_402 : vector<1x16xf32> to vector<16xf32>
        %add3A_404 = arith.addf %add3A_382, %get3A_403 : vector<16xf32>
        %get3A_405 = arith.index_cast %scan3A_399 : i32 to index
        %get3A_406 = arith.constant 16 : index
        %get3A_407 = tpu.vector_load %arg6[%get3A_405, %get3A_406] {strides = array<i32>} : memref<200x64xf32, #tpu.memory_space<vmem>>, vector<1x16xf32>,
        %get3A_408 = vector.shape_cast %get3A_407 : vector<1x16xf32> to vector<16xf32>
        %add3A_409 = arith.addf %add3A_387, %get3A_408 : vector<16xf32>
        %get3A_410 = arith.index_cast %scan3A_399 : i32 to index
        %get3A_411 = arith.constant 32 : index
        %get3A_412 = tpu.vector_load %arg6[%get3A_410, %get3A_411] {strides = array<i32>} : memref<200x64xf32, #tpu.memory_space<vmem>>, vector<1x16xf32>,
        %get3A_413 = vector.shape_cast %get3A_412 : vector<1x16xf32> to vector<16xf32>
        %add3A_414 = arith.addf %add3A_392, %get3A_413 : vector<16xf32>
        %get3A_415 = arith.index_cast %scan3A_399 : i32 to index
        %get3A_416 = arith.constant 48 : index
        %get3A_417 = tpu.vector_load %arg6[%get3A_415, %get3A_416] {strides = array<i32>} : memref<200x64xf32, #tpu.memory_space<vmem>>, vector<1x16xf32>,
        %get3A_418 = vector.shape_cast %get3A_417 : vector<1x16xf32> to vector<16xf32>
        %add3A_419 = arith.addf %add3A_397, %get3A_418 : vector<16xf32>
        scf.yield %add3A_404, %add3A_409, %add3A_414, %add3A_419 : vector<16xf32>, vector<16xf32>, vector<16xf32>, vector<16xf32>
      }
      %scan3A_127 = arith.constant 200 : i32
      %swap3A = arith.index_cast %add3A_61 : i32 to index
      %swap3A_128 = arith.constant 0 : index
      %swap3A_129 = tpu.vector_load %arg8[%swap3A, %swap3A_128] {strides = array<i32>} : memref<128x64xf32, #tpu.memory_space<vmem>>, vector<1x16xf32>,
      %swap3A_130 = vector.shape_cast %swap3A_129 : vector<1x16xf32> to vector<16xf32>
      %swap3A_131 = vector.shape_cast %scan3A_126#0 : vector<16xf32> to vector<1x16xf32>
      tpu.vector_store %arg8[%swap3A, %swap3A_128], %swap3A_131 {strides = array<i32>} : memref<128x64xf32, #tpu.memory_space<vmem>>, vector<1x16xf32>,
      %swap3A_132 = arith.index_cast %add3A_61 : i32 to index
      %swap3A_133 = arith.constant 16 : index
      %swap3A_134 = tpu.vector_load %arg8[%swap3A_132, %swap3A_133] {strides = array<i32>} : memref<128x64xf32, #tpu.memory_space<vmem>>, vector<1x16xf32>,
      %swap3A_135 = vector.shape_cast %swap3A_134 : vector<1x16xf32> to vector<16xf32>
      %swap3A_136 = vector.shape_cast %scan3A_126#1 : vector<16xf32> to vector<1x16xf32>
      tpu.vector_store %arg8[%swap3A_132, %swap3A_133], %swap3A_136 {strides = array<i32>} : memref<128x64xf32, #tpu.memory_space<vmem>>, vector<1x16xf32>,
      %swap3A_137 = arith.index_cast %add3A_61 : i32 to index
      %swap3A_138 = arith.constant 32 : index
      %swap3A_139 = tpu.vector_load %arg8[%swap3A_137, %swap3A_138] {strides = array<i32>} : memref<128x64xf32, #tpu.memory_space<vmem>>, vector<1x16xf32>,
      %swap3A_140 = vector.shape_cast %swap3A_139 : vector<1x16xf32> to vector<16xf32>
      %swap3A_141 = vector.shape_cast %scan3A_126#2 : vector<16xf32> to vector<1x16xf32>
      tpu.vector_store %arg8[%swap3A_137, %swap3A_138], %swap3A_141 {strides = array<i32>} : memref<128x64xf32, #tpu.memory_space<vmem>>, vector<1x16xf32>,
      %swap3A_142 = arith.index_cast %add3A_61 : i32 to index
      %swap3A_143 = arith.constant 48 : index
      %swap3A_144 = tpu.vector_load %arg8[%swap3A_142, %swap3A_143] {strides = array<i32>} : memref<128x64xf32, #tpu.memory_space<vmem>>, vector<1x16xf32>,
      %swap3A_145 = vector.shape_cast %swap3A_144 : vector<1x16xf32> to vector<16xf32>
      %swap3A_146 = vector.shape_cast %scan3A_126#3 : vector<16xf32> to vector<1x16xf32>
      tpu.vector_store %arg8[%swap3A_142, %swap3A_143], %swap3A_146 {strides = array<i32>} : memref<128x64xf32, #tpu.memory_space<vmem>>, vector<1x16xf32>,
      %mul3A_147 = arith.constant 2 : i32
      %mul3A_148 = arith.muli %scan3A_57, %mul3A_147 : i32
      %add3A_149 = arith.constant 1 : i32
      %add3A_150 = arith.addi %mul3A_148, %add3A_149 : i32
      %add3A_151 = arith.constant 1 : i32
      %add3A_152 = arith.addi %add3A_150, %add3A_151 : i32
      %lt3A_153 = arith.constant 128 : i32
      %lt3A_154 = arith.cmpi slt, %add3A_152, %lt3A_153 : i32
      %convert_element_type3A_155 = arith.extui %lt3A_154 : i1 to i32
      %cond3A_156 = arith.constant 0 : i32
      %cond3A_157 = arith.cmpi ne, %convert_element_type3A_155, %cond3A_156 : i32
      scf.if %cond3A_157 {
        %add3A_242 = arith.constant 1 : i32
        %add3A_243 = arith.addi %add3A_150, %add3A_242 : i32
        %dma_start3A_244 = arith.constant 0 : i32
        %dma_start3A_245 = arith.constant 0 : i32
        %dma_start3A_246 = tpu.memref_slice %arg6[%dma_start3A_244, %dma_start3A_245] : memref<200x64xf32, #tpu.memory_space<vmem>> -> memref<40x64xf32, #tpu.memory_space<vmem>>
        %dma_start3A_247 = arith.constant 0 : i32
        %dma_start3A_248 = tpu.memref_slice %arg5[%add3A_243, %dma_start3A_247] : memref<128x200xi32, #tpu.memory_space<vmem>> -> memref<1x40xi32, #tpu.memory_space<vmem>>
        %dma_start3A_249 = tpu.memref_squeeze %dma_start3A_248 : memref<1x40xi32, #tpu.memory_space<vmem>> -> memref<40xi32, #tpu.memory_space<vmem>>
        %dma_start3A_250 = arith.constant 0 : i32
        %dma_start3A_251 = arith.constant 0 : i32
        %dma_start3A_252 = tpu.memref_slice %arg3[%dma_start3A_250, %dma_start3A_251] : memref<1003520x64xf32, #tpu.memory_space<hbm>> -> memref<1003520x64xf32, #tpu.memory_space<hbm>>
        tpu.enqueue_indirect_dma source(%dma_start3A_252 : memref<1003520x64xf32, #tpu.memory_space<hbm>>) target(%dma_start3A_246 : memref<40x64xf32, #tpu.memory_space<vmem>>) offsets(%dma_start3A_249 : memref<40xi32, #tpu.memory_space<vmem>>) semaphore(%arg9 : memref<!tpu.dma_semaphore, #tpu.memory_space<semaphore_mem>>)
        %dma_start3A_253 = arith.constant 40 : i32
        %dma_start3A_254 = arith.constant 0 : i32
        %dma_start3A_255 = tpu.memref_slice %arg6[%dma_start3A_253, %dma_start3A_254] : memref<200x64xf32, #tpu.memory_space<vmem>> -> memref<40x64xf32, #tpu.memory_space<vmem>>
        %dma_start3A_256 = arith.constant 40 : i32
        %dma_start3A_257 = tpu.memref_slice %arg5[%add3A_243, %dma_start3A_256] : memref<128x200xi32, #tpu.memory_space<vmem>> -> memref<1x40xi32, #tpu.memory_space<vmem>>
        %dma_start3A_258 = tpu.memref_squeeze %dma_start3A_257 : memref<1x40xi32, #tpu.memory_space<vmem>> -> memref<40xi32, #tpu.memory_space<vmem>>
        %dma_start3A_259 = arith.constant 0 : i32
        %dma_start3A_260 = arith.constant 0 : i32
        %dma_start3A_261 = tpu.memref_slice %arg3[%dma_start3A_259, %dma_start3A_260] : memref<1003520x64xf32, #tpu.memory_space<hbm>> -> memref<1003520x64xf32, #tpu.memory_space<hbm>>
        tpu.enqueue_indirect_dma source(%dma_start3A_261 : memref<1003520x64xf32, #tpu.memory_space<hbm>>) target(%dma_start3A_255 : memref<40x64xf32, #tpu.memory_space<vmem>>) offsets(%dma_start3A_258 : memref<40xi32, #tpu.memory_space<vmem>>) semaphore(%arg9 : memref<!tpu.dma_semaphore, #tpu.memory_space<semaphore_mem>>)
        %dma_start3A_262 = arith.constant 80 : i32
        %dma_start3A_263 = arith.constant 0 : i32
        %dma_start3A_264 = tpu.memref_slice %arg6[%dma_start3A_262, %dma_start3A_263] : memref<200x64xf32, #tpu.memory_space<vmem>> -> memref<40x64xf32, #tpu.memory_space<vmem>>
        %dma_start3A_265 = arith.constant 80 : i32
        %dma_start3A_266 = tpu.memref_slice %arg5[%add3A_243, %dma_start3A_265] : memref<128x200xi32, #tpu.memory_space<vmem>> -> memref<1x40xi32, #tpu.memory_space<vmem>>
        %dma_start3A_267 = tpu.memref_squeeze %dma_start3A_266 : memref<1x40xi32, #tpu.memory_space<vmem>> -> memref<40xi32, #tpu.memory_space<vmem>>
        %dma_start3A_268 = arith.constant 0 : i32
        %dma_start3A_269 = arith.constant 0 : i32
        %dma_start3A_270 = tpu.memref_slice %arg3[%dma_start3A_268, %dma_start3A_269] : memref<1003520x64xf32, #tpu.memory_space<hbm>> -> memref<1003520x64xf32, #tpu.memory_space<hbm>>
        tpu.enqueue_indirect_dma source(%dma_start3A_270 : memref<1003520x64xf32, #tpu.memory_space<hbm>>) target(%dma_start3A_264 : memref<40x64xf32, #tpu.memory_space<vmem>>) offsets(%dma_start3A_267 : memref<40xi32, #tpu.memory_space<vmem>>) semaphore(%arg9 : memref<!tpu.dma_semaphore, #tpu.memory_space<semaphore_mem>>)
        %dma_start3A_271 = arith.constant 120 : i32
        %dma_start3A_272 = arith.constant 0 : i32
        %dma_start3A_273 = tpu.memref_slice %arg6[%dma_start3A_271, %dma_start3A_272] : memref<200x64xf32, #tpu.memory_space<vmem>> -> memref<40x64xf32, #tpu.memory_space<vmem>>
        %dma_start3A_274 = arith.constant 120 : i32
        %dma_start3A_275 = tpu.memref_slice %arg5[%add3A_243, %dma_start3A_274] : memref<128x200xi32, #tpu.memory_space<vmem>> -> memref<1x40xi32, #tpu.memory_space<vmem>>
        %dma_start3A_276 = tpu.memref_squeeze %dma_start3A_275 : memref<1x40xi32, #tpu.memory_space<vmem>> -> memref<40xi32, #tpu.memory_space<vmem>>
        %dma_start3A_277 = arith.constant 0 : i32
        %dma_start3A_278 = arith.constant 0 : i32
        %dma_start3A_279 = tpu.memref_slice %arg3[%dma_start3A_277, %dma_start3A_278] : memref<1003520x64xf32, #tpu.memory_space<hbm>> -> memref<1003520x64xf32, #tpu.memory_space<hbm>>
        tpu.enqueue_indirect_dma source(%dma_start3A_279 : memref<1003520x64xf32, #tpu.memory_space<hbm>>) target(%dma_start3A_273 : memref<40x64xf32, #tpu.memory_space<vmem>>) offsets(%dma_start3A_276 : memref<40xi32, #tpu.memory_space<vmem>>) semaphore(%arg9 : memref<!tpu.dma_semaphore, #tpu.memory_space<semaphore_mem>>)
        %dma_start3A_280 = arith.constant 160 : i32
        %dma_start3A_281 = arith.constant 0 : i32
        %dma_start3A_282 = tpu.memref_slice %arg6[%dma_start3A_280, %dma_start3A_281] : memref<200x64xf32, #tpu.memory_space<vmem>> -> memref<40x64xf32, #tpu.memory_space<vmem>>
        %dma_start3A_283 = arith.constant 160 : i32
        %dma_start3A_284 = tpu.memref_slice %arg5[%add3A_243, %dma_start3A_283] : memref<128x200xi32, #tpu.memory_space<vmem>> -> memref<1x40xi32, #tpu.memory_space<vmem>>
        %dma_start3A_285 = tpu.memref_squeeze %dma_start3A_284 : memref<1x40xi32, #tpu.memory_space<vmem>> -> memref<40xi32, #tpu.memory_space<vmem>>
        %dma_start3A_286 = arith.constant 0 : i32
        %dma_start3A_287 = arith.constant 0 : i32
        %dma_start3A_288 = tpu.memref_slice %arg3[%dma_start3A_286, %dma_start3A_287] : memref<1003520x64xf32, #tpu.memory_space<hbm>> -> memref<1003520x64xf32, #tpu.memory_space<hbm>>
        tpu.enqueue_indirect_dma source(%dma_start3A_288 : memref<1003520x64xf32, #tpu.memory_space<hbm>>) target(%dma_start3A_282 : memref<40x64xf32, #tpu.memory_space<vmem>>) offsets(%dma_start3A_285 : memref<40xi32, #tpu.memory_space<vmem>>) semaphore(%arg9 : memref<!tpu.dma_semaphore, #tpu.memory_space<semaphore_mem>>)
      } else {
      }
      %dma_wait3A_158 = arith.constant 0 : i32
      %dma_wait3A_159 = arith.constant 0 : i32
      %dma_wait3A_160 = arith.constant 0 : i32
      %dma_wait3A_161 = tpu.memref_slice %arg7[%dma_wait3A_159, %dma_wait3A_160] : memref<200x64xf32, #tpu.memory_space<vmem>> -> memref<40x64xf32, #tpu.memory_space<vmem>>
      %dma_wait3A_162 = arith.constant 0 : i32
      %dma_wait3A_163 = tpu.memref_slice %arg5[%dma_wait3A_158, %dma_wait3A_162] : memref<128x200xi32, #tpu.memory_space<vmem>> -> memref<1x40xi32, #tpu.memory_space<vmem>>
      %dma_wait3A_164 = tpu.memref_squeeze %dma_wait3A_163 : memref<1x40xi32, #tpu.memory_space<vmem>> -> memref<40xi32, #tpu.memory_space<vmem>>
      %dma_wait3A_165 = arith.constant 0 : i32
      %dma_wait3A_166 = arith.constant 0 : i32
      %dma_wait3A_167 = tpu.memref_slice %arg3[%dma_wait3A_165, %dma_wait3A_166] : memref<1003520x64xf32, #tpu.memory_space<hbm>> -> memref<1003520x64xf32, #tpu.memory_space<hbm>>
      tpu.wait_indirect_dma semaphore(%arg10 : memref<!tpu.dma_semaphore, #tpu.memory_space<semaphore_mem>>) src(%dma_wait3A_167 : memref<1003520x64xf32, #tpu.memory_space<hbm>>) dst(%dma_wait3A_161 : memref<40x64xf32, #tpu.memory_space<vmem>>)
      %dma_wait3A_168 = arith.constant 0 : i32
      %dma_wait3A_169 = arith.constant 40 : i32
      %dma_wait3A_170 = arith.constant 0 : i32
      %dma_wait3A_171 = tpu.memref_slice %arg7[%dma_wait3A_169, %dma_wait3A_170] : memref<200x64xf32, #tpu.memory_space<vmem>> -> memref<40x64xf32, #tpu.memory_space<vmem>>
      %dma_wait3A_172 = arith.constant 0 : i32
      %dma_wait3A_173 = tpu.memref_slice %arg5[%dma_wait3A_168, %dma_wait3A_172] : memref<128x200xi32, #tpu.memory_space<vmem>> -> memref<1x40xi32, #tpu.memory_space<vmem>>
      %dma_wait3A_174 = tpu.memref_squeeze %dma_wait3A_173 : memref<1x40xi32, #tpu.memory_space<vmem>> -> memref<40xi32, #tpu.memory_space<vmem>>
      %dma_wait3A_175 = arith.constant 0 : i32
      %dma_wait3A_176 = arith.constant 0 : i32
      %dma_wait3A_177 = tpu.memref_slice %arg3[%dma_wait3A_175, %dma_wait3A_176] : memref<1003520x64xf32, #tpu.memory_space<hbm>> -> memref<1003520x64xf32, #tpu.memory_space<hbm>>
      tpu.wait_indirect_dma semaphore(%arg10 : memref<!tpu.dma_semaphore, #tpu.memory_space<semaphore_mem>>) src(%dma_wait3A_177 : memref<1003520x64xf32, #tpu.memory_space<hbm>>) dst(%dma_wait3A_171 : memref<40x64xf32, #tpu.memory_space<vmem>>)
      %dma_wait3A_178 = arith.constant 0 : i32
      %dma_wait3A_179 = arith.constant 80 : i32
      %dma_wait3A_180 = arith.constant 0 : i32
      %dma_wait3A_181 = tpu.memref_slice %arg7[%dma_wait3A_179, %dma_wait3A_180] : memref<200x64xf32, #tpu.memory_space<vmem>> -> memref<40x64xf32, #tpu.memory_space<vmem>>
      %dma_wait3A_182 = arith.constant 0 : i32
      %dma_wait3A_183 = tpu.memref_slice %arg5[%dma_wait3A_178, %dma_wait3A_182] : memref<128x200xi32, #tpu.memory_space<vmem>> -> memref<1x40xi32, #tpu.memory_space<vmem>>
      %dma_wait3A_184 = tpu.memref_squeeze %dma_wait3A_183 : memref<1x40xi32, #tpu.memory_space<vmem>> -> memref<40xi32, #tpu.memory_space<vmem>>
      %dma_wait3A_185 = arith.constant 0 : i32
      %dma_wait3A_186 = arith.constant 0 : i32
      %dma_wait3A_187 = tpu.memref_slice %arg3[%dma_wait3A_185, %dma_wait3A_186] : memref<1003520x64xf32, #tpu.memory_space<hbm>> -> memref<1003520x64xf32, #tpu.memory_space<hbm>>
      tpu.wait_indirect_dma semaphore(%arg10 : memref<!tpu.dma_semaphore, #tpu.memory_space<semaphore_mem>>) src(%dma_wait3A_187 : memref<1003520x64xf32, #tpu.memory_space<hbm>>) dst(%dma_wait3A_181 : memref<40x64xf32, #tpu.memory_space<vmem>>)
      %dma_wait3A_188 = arith.constant 0 : i32
      %dma_wait3A_189 = arith.constant 120 : i32
      %dma_wait3A_190 = arith.constant 0 : i32
      %dma_wait3A_191 = tpu.memref_slice %arg7[%dma_wait3A_189, %dma_wait3A_190] : memref<200x64xf32, #tpu.memory_space<vmem>> -> memref<40x64xf32, #tpu.memory_space<vmem>>
      %dma_wait3A_192 = arith.constant 0 : i32
      %dma_wait3A_193 = tpu.memref_slice %arg5[%dma_wait3A_188, %dma_wait3A_192] : memref<128x200xi32, #tpu.memory_space<vmem>> -> memref<1x40xi32, #tpu.memory_space<vmem>>
      %dma_wait3A_194 = tpu.memref_squeeze %dma_wait3A_193 : memref<1x40xi32, #tpu.memory_space<vmem>> -> memref<40xi32, #tpu.memory_space<vmem>>
      %dma_wait3A_195 = arith.constant 0 : i32
      %dma_wait3A_196 = arith.constant 0 : i32
      %dma_wait3A_197 = tpu.memref_slice %arg3[%dma_wait3A_195, %dma_wait3A_196] : memref<1003520x64xf32, #tpu.memory_space<hbm>> -> memref<1003520x64xf32, #tpu.memory_space<hbm>>
      tpu.wait_indirect_dma semaphore(%arg10 : memref<!tpu.dma_semaphore, #tpu.memory_space<semaphore_mem>>) src(%dma_wait3A_197 : memref<1003520x64xf32, #tpu.memory_space<hbm>>) dst(%dma_wait3A_191 : memref<40x64xf32, #tpu.memory_space<vmem>>)
      %dma_wait3A_198 = arith.constant 0 : i32
      %dma_wait3A_199 = arith.constant 160 : i32
      %dma_wait3A_200 = arith.constant 0 : i32
      %dma_wait3A_201 = tpu.memref_slice %arg7[%dma_wait3A_199, %dma_wait3A_200] : memref<200x64xf32, #tpu.memory_space<vmem>> -> memref<40x64xf32, #tpu.memory_space<vmem>>
      %dma_wait3A_202 = arith.constant 0 : i32
      %dma_wait3A_203 = tpu.memref_slice %arg5[%dma_wait3A_198, %dma_wait3A_202] : memref<128x200xi32, #tpu.memory_space<vmem>> -> memref<1x40xi32, #tpu.memory_space<vmem>>
      %dma_wait3A_204 = tpu.memref_squeeze %dma_wait3A_203 : memref<1x40xi32, #tpu.memory_space<vmem>> -> memref<40xi32, #tpu.memory_space<vmem>>
      %dma_wait3A_205 = arith.constant 0 : i32
      %dma_wait3A_206 = arith.constant 0 : i32
      %dma_wait3A_207 = tpu.memref_slice %arg3[%dma_wait3A_205, %dma_wait3A_206] : memref<1003520x64xf32, #tpu.memory_space<hbm>> -> memref<1003520x64xf32, #tpu.memory_space<hbm>>
      tpu.wait_indirect_dma semaphore(%arg10 : memref<!tpu.dma_semaphore, #tpu.memory_space<semaphore_mem>>) src(%dma_wait3A_207 : memref<1003520x64xf32, #tpu.memory_space<hbm>>) dst(%dma_wait3A_201 : memref<40x64xf32, #tpu.memory_space<vmem>>)
      %broadcast_in_dim3A_208 = arith.constant 0.000000e+00 : f32
      %broadcast_in_dim3A_209 = vector.broadcast %broadcast_in_dim3A_208 : f32 to vector<16xf32>
      %broadcast_in_dim3A_210 = arith.constant 0.000000e+00 : f32
      %broadcast_in_dim3A_211 = vector.broadcast %broadcast_in_dim3A_210 : f32 to vector<16xf32>
      %broadcast_in_dim3A_212 = arith.constant 0.000000e+00 : f32
      %broadcast_in_dim3A_213 = vector.broadcast %broadcast_in_dim3A_212 : f32 to vector<16xf32>
      %broadcast_in_dim3A_214 = arith.constant 0.000000e+00 : f32
      %broadcast_in_dim3A_215 = vector.broadcast %broadcast_in_dim3A_214 : f32 to vector<16xf32>
      %scan3A_216 = arith.constant 0 : i32
      %scan3A_217 = arith.constant 200 : i32
      %scan3A_218 = arith.addi %scan3A_216, %scan3A_217 : i32
      %scan3A_219 = arith.constant 8 : i32
      %scan3A_220:4 = scf.for %scan3A_242 = %scan3A_216 to %scan3A_218 step %scan3A_219 iter_args(%scan3A_243 = %broadcast_in_dim3A_209, %scan3A_244 = %broadcast_in_dim3A_211, %scan3A_245 = %broadcast_in_dim3A_213, %scan3A_246 = %broadcast_in_dim3A_215) -> (vector<16xf32>, vector<16xf32>, vector<16xf32>, vector<16xf32>)  : i32 {
        %get3A = arith.index_cast %scan3A_242 : i32 to index
        %get3A_247 = arith.constant 0 : index
        %get3A_248 = tpu.vector_load %arg7[%get3A, %get3A_247] {strides = array<i32>} : memref<200x64xf32, #tpu.memory_space<vmem>>, vector<1x16xf32>,
        %get3A_249 = vector.shape_cast %get3A_248 : vector<1x16xf32> to vector<16xf32>
        %add3A_250 = arith.addf %scan3A_243, %get3A_249 : vector<16xf32>
        %get3A_251 = arith.index_cast %scan3A_242 : i32 to index
        %get3A_252 = arith.constant 16 : index
        %get3A_253 = tpu.vector_load %arg7[%get3A_251, %get3A_252] {strides = array<i32>} : memref<200x64xf32, #tpu.memory_space<vmem>>, vector<1x16xf32>,
        %get3A_254 = vector.shape_cast %get3A_253 : vector<1x16xf32> to vector<16xf32>
        %add3A_255 = arith.addf %scan3A_244, %get3A_254 : vector<16xf32>
        %get3A_256 = arith.index_cast %scan3A_242 : i32 to index
        %get3A_257 = arith.constant 32 : index
        %get3A_258 = tpu.vector_load %arg7[%get3A_256, %get3A_257] {strides = array<i32>} : memref<200x64xf32, #tpu.memory_space<vmem>>, vector<1x16xf32>,
        %get3A_259 = vector.shape_cast %get3A_258 : vector<1x16xf32> to vector<16xf32>
        %add3A_260 = arith.addf %scan3A_245, %get3A_259 : vector<16xf32>
        %get3A_261 = arith.index_cast %scan3A_242 : i32 to index
        %get3A_262 = arith.constant 48 : index
        %get3A_263 = tpu.vector_load %arg7[%get3A_261, %get3A_262] {strides = array<i32>} : memref<200x64xf32, #tpu.memory_space<vmem>>, vector<1x16xf32>,
        %get3A_264 = vector.shape_cast %get3A_263 : vector<1x16xf32> to vector<16xf32>
        %add3A_265 = arith.addf %scan3A_246, %get3A_264 : vector<16xf32>
        %scan3A_266 = arith.constant 1 : i32
        %scan3A_267 = arith.addi %scan3A_242, %scan3A_266 : i32
        %get3A_268 = arith.index_cast %scan3A_267 : i32 to index
        %get3A_269 = arith.constant 0 : index
        %get3A_270 = tpu.vector_load %arg7[%get3A_268, %get3A_269] {strides = array<i32>} : memref<200x64xf32, #tpu.memory_space<vmem>>, vector<1x16xf32>,
        %get3A_271 = vector.shape_cast %get3A_270 : vector<1x16xf32> to vector<16xf32>
        %add3A_272 = arith.addf %add3A_250, %get3A_271 : vector<16xf32>
        %get3A_273 = arith.index_cast %scan3A_267 : i32 to index
        %get3A_274 = arith.constant 16 : index
        %get3A_275 = tpu.vector_load %arg7[%get3A_273, %get3A_274] {strides = array<i32>} : memref<200x64xf32, #tpu.memory_space<vmem>>, vector<1x16xf32>,
        %get3A_276 = vector.shape_cast %get3A_275 : vector<1x16xf32> to vector<16xf32>
        %add3A_277 = arith.addf %add3A_255, %get3A_276 : vector<16xf32>
        %get3A_278 = arith.index_cast %scan3A_267 : i32 to index
        %get3A_279 = arith.constant 32 : index
        %get3A_280 = tpu.vector_load %arg7[%get3A_278, %get3A_279] {strides = array<i32>} : memref<200x64xf32, #tpu.memory_space<vmem>>, vector<1x16xf32>,
        %get3A_281 = vector.shape_cast %get3A_280 : vector<1x16xf32> to vector<16xf32>
        %add3A_282 = arith.addf %add3A_260, %get3A_281 : vector<16xf32>
        %get3A_283 = arith.index_cast %scan3A_267 : i32 to index
        %get3A_284 = arith.constant 48 : index
        %get3A_285 = tpu.vector_load %arg7[%get3A_283, %get3A_284] {strides = array<i32>} : memref<200x64xf32, #tpu.memory_space<vmem>>, vector<1x16xf32>,
        %get3A_286 = vector.shape_cast %get3A_285 : vector<1x16xf32> to vector<16xf32>
        %add3A_287 = arith.addf %add3A_265, %get3A_286 : vector<16xf32>
        %scan3A_288 = arith.constant 2 : i32
        %scan3A_289 = arith.addi %scan3A_242, %scan3A_288 : i32
        %get3A_290 = arith.index_cast %scan3A_289 : i32 to index
        %get3A_291 = arith.constant 0 : index
        %get3A_292 = tpu.vector_load %arg7[%get3A_290, %get3A_291] {strides = array<i32>} : memref<200x64xf32, #tpu.memory_space<vmem>>, vector<1x16xf32>,
        %get3A_293 = vector.shape_cast %get3A_292 : vector<1x16xf32> to vector<16xf32>
        %add3A_294 = arith.addf %add3A_272, %get3A_293 : vector<16xf32>
        %get3A_295 = arith.index_cast %scan3A_289 : i32 to index
        %get3A_296 = arith.constant 16 : index
        %get3A_297 = tpu.vector_load %arg7[%get3A_295, %get3A_296] {strides = array<i32>} : memref<200x64xf32, #tpu.memory_space<vmem>>, vector<1x16xf32>,
        %get3A_298 = vector.shape_cast %get3A_297 : vector<1x16xf32> to vector<16xf32>
        %add3A_299 = arith.addf %add3A_277, %get3A_298 : vector<16xf32>
        %get3A_300 = arith.index_cast %scan3A_289 : i32 to index
        %get3A_301 = arith.constant 32 : index
        %get3A_302 = tpu.vector_load %arg7[%get3A_300, %get3A_301] {strides = array<i32>} : memref<200x64xf32, #tpu.memory_space<vmem>>, vector<1x16xf32>,
        %get3A_303 = vector.shape_cast %get3A_302 : vector<1x16xf32> to vector<16xf32>
        %add3A_304 = arith.addf %add3A_282, %get3A_303 : vector<16xf32>
        %get3A_305 = arith.index_cast %scan3A_289 : i32 to index
        %get3A_306 = arith.constant 48 : index
        %get3A_307 = tpu.vector_load %arg7[%get3A_305, %get3A_306] {strides = array<i32>} : memref<200x64xf32, #tpu.memory_space<vmem>>, vector<1x16xf32>,
        %get3A_308 = vector.shape_cast %get3A_307 : vector<1x16xf32> to vector<16xf32>
        %add3A_309 = arith.addf %add3A_287, %get3A_308 : vector<16xf32>
        %scan3A_310 = arith.constant 3 : i32
        %scan3A_311 = arith.addi %scan3A_242, %scan3A_310 : i32
        %get3A_312 = arith.index_cast %scan3A_311 : i32 to index
        %get3A_313 = arith.constant 0 : index
        %get3A_314 = tpu.vector_load %arg7[%get3A_312, %get3A_313] {strides = array<i32>} : memref<200x64xf32, #tpu.memory_space<vmem>>, vector<1x16xf32>,
        %get3A_315 = vector.shape_cast %get3A_314 : vector<1x16xf32> to vector<16xf32>
        %add3A_316 = arith.addf %add3A_294, %get3A_315 : vector<16xf32>
        %get3A_317 = arith.index_cast %scan3A_311 : i32 to index
        %get3A_318 = arith.constant 16 : index
        %get3A_319 = tpu.vector_load %arg7[%get3A_317, %get3A_318] {strides = array<i32>} : memref<200x64xf32, #tpu.memory_space<vmem>>, vector<1x16xf32>,
        %get3A_320 = vector.shape_cast %get3A_319 : vector<1x16xf32> to vector<16xf32>
        %add3A_321 = arith.addf %add3A_299, %get3A_320 : vector<16xf32>
        %get3A_322 = arith.index_cast %scan3A_311 : i32 to index
        %get3A_323 = arith.constant 32 : index
        %get3A_324 = tpu.vector_load %arg7[%get3A_322, %get3A_323] {strides = array<i32>} : memref<200x64xf32, #tpu.memory_space<vmem>>, vector<1x16xf32>,
        %get3A_325 = vector.shape_cast %get3A_324 : vector<1x16xf32> to vector<16xf32>
        %add3A_326 = arith.addf %add3A_304, %get3A_325 : vector<16xf32>
        %get3A_327 = arith.index_cast %scan3A_311 : i32 to index
        %get3A_328 = arith.constant 48 : index
        %get3A_329 = tpu.vector_load %arg7[%get3A_327, %get3A_328] {strides = array<i32>} : memref<200x64xf32, #tpu.memory_space<vmem>>, vector<1x16xf32>,
        %get3A_330 = vector.shape_cast %get3A_329 : vector<1x16xf32> to vector<16xf32>
        %add3A_331 = arith.addf %add3A_309, %get3A_330 : vector<16xf32>
        %scan3A_332 = arith.constant 4 : i32
        %scan3A_333 = arith.addi %scan3A_242, %scan3A_332 : i32
        %get3A_334 = arith.index_cast %scan3A_333 : i32 to index
        %get3A_335 = arith.constant 0 : index
        %get3A_336 = tpu.vector_load %arg7[%get3A_334, %get3A_335] {strides = array<i32>} : memref<200x64xf32, #tpu.memory_space<vmem>>, vector<1x16xf32>,
        %get3A_337 = vector.shape_cast %get3A_336 : vector<1x16xf32> to vector<16xf32>
        %add3A_338 = arith.addf %add3A_316, %get3A_337 : vector<16xf32>
        %get3A_339 = arith.index_cast %scan3A_333 : i32 to index
        %get3A_340 = arith.constant 16 : index
        %get3A_341 = tpu.vector_load %arg7[%get3A_339, %get3A_340] {strides = array<i32>} : memref<200x64xf32, #tpu.memory_space<vmem>>, vector<1x16xf32>,
        %get3A_342 = vector.shape_cast %get3A_341 : vector<1x16xf32> to vector<16xf32>
        %add3A_343 = arith.addf %add3A_321, %get3A_342 : vector<16xf32>
        %get3A_344 = arith.index_cast %scan3A_333 : i32 to index
        %get3A_345 = arith.constant 32 : index
        %get3A_346 = tpu.vector_load %arg7[%get3A_344, %get3A_345] {strides = array<i32>} : memref<200x64xf32, #tpu.memory_space<vmem>>, vector<1x16xf32>,
        %get3A_347 = vector.shape_cast %get3A_346 : vector<1x16xf32> to vector<16xf32>
        %add3A_348 = arith.addf %add3A_326, %get3A_347 : vector<16xf32>
        %get3A_349 = arith.index_cast %scan3A_333 : i32 to index
        %get3A_350 = arith.constant 48 : index
        %get3A_351 = tpu.vector_load %arg7[%get3A_349, %get3A_350] {strides = array<i32>} : memref<200x64xf32, #tpu.memory_space<vmem>>, vector<1x16xf32>,
        %get3A_352 = vector.shape_cast %get3A_351 : vector<1x16xf32> to vector<16xf32>
        %add3A_353 = arith.addf %add3A_331, %get3A_352 : vector<16xf32>
        %scan3A_354 = arith.constant 5 : i32
        %scan3A_355 = arith.addi %scan3A_242, %scan3A_354 : i32
        %get3A_356 = arith.index_cast %scan3A_355 : i32 to index
        %get3A_357 = arith.constant 0 : index
        %get3A_358 = tpu.vector_load %arg7[%get3A_356, %get3A_357] {strides = array<i32>} : memref<200x64xf32, #tpu.memory_space<vmem>>, vector<1x16xf32>,
        %get3A_359 = vector.shape_cast %get3A_358 : vector<1x16xf32> to vector<16xf32>
        %add3A_360 = arith.addf %add3A_338, %get3A_359 : vector<16xf32>
        %get3A_361 = arith.index_cast %scan3A_355 : i32 to index
        %get3A_362 = arith.constant 16 : index
        %get3A_363 = tpu.vector_load %arg7[%get3A_361, %get3A_362] {strides = array<i32>} : memref<200x64xf32, #tpu.memory_space<vmem>>, vector<1x16xf32>,
        %get3A_364 = vector.shape_cast %get3A_363 : vector<1x16xf32> to vector<16xf32>
        %add3A_365 = arith.addf %add3A_343, %get3A_364 : vector<16xf32>
        %get3A_366 = arith.index_cast %scan3A_355 : i32 to index
        %get3A_367 = arith.constant 32 : index
        %get3A_368 = tpu.vector_load %arg7[%get3A_366, %get3A_367] {strides = array<i32>} : memref<200x64xf32, #tpu.memory_space<vmem>>, vector<1x16xf32>,
        %get3A_369 = vector.shape_cast %get3A_368 : vector<1x16xf32> to vector<16xf32>
        %add3A_370 = arith.addf %add3A_348, %get3A_369 : vector<16xf32>
        %get3A_371 = arith.index_cast %scan3A_355 : i32 to index
        %get3A_372 = arith.constant 48 : index
        %get3A_373 = tpu.vector_load %arg7[%get3A_371, %get3A_372] {strides = array<i32>} : memref<200x64xf32, #tpu.memory_space<vmem>>, vector<1x16xf32>,
        %get3A_374 = vector.shape_cast %get3A_373 : vector<1x16xf32> to vector<16xf32>
        %add3A_375 = arith.addf %add3A_353, %get3A_374 : vector<16xf32>
        %scan3A_376 = arith.constant 6 : i32
        %scan3A_377 = arith.addi %scan3A_242, %scan3A_376 : i32
        %get3A_378 = arith.index_cast %scan3A_377 : i32 to index
        %get3A_379 = arith.constant 0 : index
        %get3A_380 = tpu.vector_load %arg7[%get3A_378, %get3A_379] {strides = array<i32>} : memref<200x64xf32, #tpu.memory_space<vmem>>, vector<1x16xf32>,
        %get3A_381 = vector.shape_cast %get3A_380 : vector<1x16xf32> to vector<16xf32>
        %add3A_382 = arith.addf %add3A_360, %get3A_381 : vector<16xf32>
        %get3A_383 = arith.index_cast %scan3A_377 : i32 to index
        %get3A_384 = arith.constant 16 : index
        %get3A_385 = tpu.vector_load %arg7[%get3A_383, %get3A_384] {strides = array<i32>} : memref<200x64xf32, #tpu.memory_space<vmem>>, vector<1x16xf32>,
        %get3A_386 = vector.shape_cast %get3A_385 : vector<1x16xf32> to vector<16xf32>
        %add3A_387 = arith.addf %add3A_365, %get3A_386 : vector<16xf32>
        %get3A_388 = arith.index_cast %scan3A_377 : i32 to index
        %get3A_389 = arith.constant 32 : index
        %get3A_390 = tpu.vector_load %arg7[%get3A_388, %get3A_389] {strides = array<i32>} : memref<200x64xf32, #tpu.memory_space<vmem>>, vector<1x16xf32>,
        %get3A_391 = vector.shape_cast %get3A_390 : vector<1x16xf32> to vector<16xf32>
        %add3A_392 = arith.addf %add3A_370, %get3A_391 : vector<16xf32>
        %get3A_393 = arith.index_cast %scan3A_377 : i32 to index
        %get3A_394 = arith.constant 48 : index
        %get3A_395 = tpu.vector_load %arg7[%get3A_393, %get3A_394] {strides = array<i32>} : memref<200x64xf32, #tpu.memory_space<vmem>>, vector<1x16xf32>,
        %get3A_396 = vector.shape_cast %get3A_395 : vector<1x16xf32> to vector<16xf32>
        %add3A_397 = arith.addf %add3A_375, %get3A_396 : vector<16xf32>
        %scan3A_398 = arith.constant 7 : i32
        %scan3A_399 = arith.addi %scan3A_242, %scan3A_398 : i32
        %get3A_400 = arith.index_cast %scan3A_399 : i32 to index
        %get3A_401 = arith.constant 0 : index
        %get3A_402 = tpu.vector_load %arg7[%get3A_400, %get3A_401] {strides = array<i32>} : memref<200x64xf32, #tpu.memory_space<vmem>>, vector<1x16xf32>,
        %get3A_403 = vector.shape_cast %get3A_402 : vector<1x16xf32> to vector<16xf32>
        %add3A_404 = arith.addf %add3A_382, %get3A_403 : vector<16xf32>
        %get3A_405 = arith.index_cast %scan3A_399 : i32 to index
        %get3A_406 = arith.constant 16 : index
        %get3A_407 = tpu.vector_load %arg7[%get3A_405, %get3A_406] {strides = array<i32>} : memref<200x64xf32, #tpu.memory_space<vmem>>, vector<1x16xf32>,
        %get3A_408 = vector.shape_cast %get3A_407 : vector<1x16xf32> to vector<16xf32>
        %add3A_409 = arith.addf %add3A_387, %get3A_408 : vector<16xf32>
        %get3A_410 = arith.index_cast %scan3A_399 : i32 to index
        %get3A_411 = arith.constant 32 : index
        %get3A_412 = tpu.vector_load %arg7[%get3A_410, %get3A_411] {strides = array<i32>} : memref<200x64xf32, #tpu.memory_space<vmem>>, vector<1x16xf32>,
        %get3A_413 = vector.shape_cast %get3A_412 : vector<1x16xf32> to vector<16xf32>
        %add3A_414 = arith.addf %add3A_392, %get3A_413 : vector<16xf32>
        %get3A_415 = arith.index_cast %scan3A_399 : i32 to index
        %get3A_416 = arith.constant 48 : index
        %get3A_417 = tpu.vector_load %arg7[%get3A_415, %get3A_416] {strides = array<i32>} : memref<200x64xf32, #tpu.memory_space<vmem>>, vector<1x16xf32>,
        %get3A_418 = vector.shape_cast %get3A_417 : vector<1x16xf32> to vector<16xf32>
        %add3A_419 = arith.addf %add3A_397, %get3A_418 : vector<16xf32>
        scf.yield %add3A_404, %add3A_409, %add3A_414, %add3A_419 : vector<16xf32>, vector<16xf32>, vector<16xf32>, vector<16xf32>
      }
      %scan3A_221 = arith.constant 200 : i32
      %swap3A_222 = arith.index_cast %add3A_150 : i32 to index
      %swap3A_223 = arith.constant 0 : index
      %swap3A_224 = tpu.vector_load %arg8[%swap3A_222, %swap3A_223] {strides = array<i32>} : memref<128x64xf32, #tpu.memory_space<vmem>>, vector<1x16xf32>,
      %swap3A_225 = vector.shape_cast %swap3A_224 : vector<1x16xf32> to vector<16xf32>
      %swap3A_226 = vector.shape_cast %scan3A_220#0 : vector<16xf32> to vector<1x16xf32>
      tpu.vector_store %arg8[%swap3A_222, %swap3A_223], %swap3A_226 {strides = array<i32>} : memref<128x64xf32, #tpu.memory_space<vmem>>, vector<1x16xf32>,
      %swap3A_227 = arith.index_cast %add3A_150 : i32 to index
      %swap3A_228 = arith.constant 16 : index
      %swap3A_229 = tpu.vector_load %arg8[%swap3A_227, %swap3A_228] {strides = array<i32>} : memref<128x64xf32, #tpu.memory_space<vmem>>, vector<1x16xf32>,
      %swap3A_230 = vector.shape_cast %swap3A_229 : vector<1x16xf32> to vector<16xf32>
      %swap3A_231 = vector.shape_cast %scan3A_220#1 : vector<16xf32> to vector<1x16xf32>
      tpu.vector_store %arg8[%swap3A_227, %swap3A_228], %swap3A_231 {strides = array<i32>} : memref<128x64xf32, #tpu.memory_space<vmem>>, vector<1x16xf32>,
      %swap3A_232 = arith.index_cast %add3A_150 : i32 to index
      %swap3A_233 = arith.constant 32 : index
      %swap3A_234 = tpu.vector_load %arg8[%swap3A_232, %swap3A_233] {strides = array<i32>} : memref<128x64xf32, #tpu.memory_space<vmem>>, vector<1x16xf32>,
      %swap3A_235 = vector.shape_cast %swap3A_234 : vector<1x16xf32> to vector<16xf32>
      %swap3A_236 = vector.shape_cast %scan3A_220#2 : vector<16xf32> to vector<1x16xf32>
      tpu.vector_store %arg8[%swap3A_232, %swap3A_233], %swap3A_236 {strides = array<i32>} : memref<128x64xf32, #tpu.memory_space<vmem>>, vector<1x16xf32>,
      %swap3A_237 = arith.index_cast %add3A_150 : i32 to index
      %swap3A_238 = arith.constant 48 : index
      %swap3A_239 = tpu.vector_load %arg8[%swap3A_237, %swap3A_238] {strides = array<i32>} : memref<128x64xf32, #tpu.memory_space<vmem>>, vector<1x16xf32>,
      %swap3A_240 = vector.shape_cast %swap3A_239 : vector<1x16xf32> to vector<16xf32>
      %swap3A_241 = vector.shape_cast %scan3A_220#3 : vector<16xf32> to vector<1x16xf32>
      tpu.vector_store %arg8[%swap3A_237, %swap3A_238], %swap3A_241 {strides = array<i32>} : memref<128x64xf32, #tpu.memory_space<vmem>>, vector<1x16xf32>,
    }
    %scan3A_56 = arith.constant 64 : i32
    "tpu.region"() ({
      %run_scoped3A = tpu.sem_alloc : memref<!tpu.dma_semaphore, #tpu.memory_space<semaphore_mem>>
      %dma_start3A_57 = arith.constant 0 : i32
      %dma_start3A_58 = tpu.memref_slice %arg4[%mul3A_2, %dma_start3A_57] : memref<4096x64xf32, #tpu.memory_space<hbm>> -> memref<128x64xf32, #tpu.memory_space<hbm>>
      %dma_start3A_59 = arith.constant 0 : i32
      %dma_start3A_60 = tpu.memref_slice %arg4[%mul3A_2, %dma_start3A_59] : memref<4096x64xf32, #tpu.memory_space<hbm>> -> memref<128x64xf32, #tpu.memory_space<hbm>>
      tpu.enqueue_dma source(%arg8 : memref<128x64xf32, #tpu.memory_space<vmem>>) target(%dma_start3A_60 : memref<128x64xf32, #tpu.memory_space<hbm>>) target_semaphore(%run_scoped3A : memref<!tpu.dma_semaphore, #tpu.memory_space<semaphore_mem>>)
      %dma_wait3A = arith.constant 0 : i32
      %dma_wait3A_61 = tpu.memref_slice %arg4[%mul3A_2, %dma_wait3A] : memref<4096x64xf32, #tpu.memory_space<hbm>> -> memref<128x64xf32, #tpu.memory_space<hbm>>
      %dma_wait3A_62 = arith.constant 0 : i32
      %dma_wait3A_63 = tpu.memref_slice %arg4[%mul3A_2, %dma_wait3A_62] : memref<4096x64xf32, #tpu.memory_space<hbm>> -> memref<128x64xf32, #tpu.memory_space<hbm>>
      tpu.wait_dma2 semaphore(%run_scoped3A : memref<!tpu.dma_semaphore, #tpu.memory_space<semaphore_mem>>) src(%arg8 : memref<128x64xf32, #tpu.memory_space<vmem>>) dst(%dma_wait3A_63 : memref<128x64xf32, #tpu.memory_space<hbm>>)
      tpu.yield
    }) : () -> ()
    return
  }
}

module attributes {stable_mosaic.version = 14 : i64} {
  func.func @_relayout_body(%arg0: i32, %arg1: memref<64x12544xf32, #tpu.memory_space<vmem>>, %arg2: memref<64x12544xf32, #tpu.memory_space<vmem>>, %arg3: memref<12544x128xf32, #tpu.memory_space<vmem>>) attributes {dimension_semantics = [#tpu.dimension_semantics<arbitrary>], iteration_bounds = array<i64: 40>, scalar_prefetch = 0 : i64, scratch_operands = 0 : i64, tpu.core_type = #tpu.core_type<tc>, window_params = [{transform_indices = @transform_0, window_bounds = array<i64: 64, 12544>}, {transform_indices = @transform_1, window_bounds = array<i64: 64, 12544>}, {transform_indices = @transform_2, window_bounds = array<i64: 12544, 128>}]} {
    %get3A = arith.constant 0 : index
    %get3A_0 = arith.constant 0 : index
    %get3A_1 = vector.load %arg1[%get3A, %get3A_0] : memref<64x12544xf32, #tpu.memory_space<vmem>>, vector<64x12544xf32>
    %get3A_2 = arith.constant 0 : index
    %get3A_3 = arith.constant 0 : index
    %get3A_4 = vector.load %arg2[%get3A_2, %get3A_3] : memref<64x12544xf32, #tpu.memory_space<vmem>>, vector<64x12544xf32>
    %concatenate3A = tpu.concatenate %get3A_1, %get3A_4 in 0 : vector<64x12544xf32>, vector<64x12544xf32> -> vector<128x12544xf32>
    %iota3A = tpu.iota {dimensions = array<i32: 0>} : vector<128x128xi32>
    %iota3A_5 = tpu.iota {dimensions = array<i32: 1>} : vector<128x128xi32>
    %eq3A = arith.cmpi eq, %iota3A, %iota3A_5 : vector<128x128xi32>
    %convert_element_type3A = arith.extui %eq3A : vector<128x128xi1> to vector<128x128xi32>
    %convert_element_type3A_6 = arith.sitofp %convert_element_type3A : vector<128x128xi32> to vector<128x128xf32>
    %convert_element_type3A_7 = arith.truncf %concatenate3A : vector<128x12544xf32> to vector<128x12544xbf16>
    %convert_element_type3A_8 = arith.extf %convert_element_type3A_7 : vector<128x12544xbf16> to vector<128x12544xf32>
    %sub3A = arith.subf %concatenate3A, %convert_element_type3A_8 : vector<128x12544xf32>
    %dot_general3A = arith.constant dense<0.000000e+00> : vector<12544x128xf32>
    %dot_general3A_9 = tpu.matmul %convert_element_type3A_8, %convert_element_type3A_6, %dot_general3A {dimension_numbers = #tpu.dot_dimension_numbers<[0], [0], [1], [1], [0, 1, 1, 1], [], []>, transpose_lhs_hint = false} : vector<128x12544xf32>, vector<128x128xf32>, vector<12544x128xf32> -> vector<12544x128xf32>
    %dot_general3A_10 = arith.constant dense<0.000000e+00> : vector<12544x128xf32>
    %dot_general3A_11 = tpu.matmul %sub3A, %convert_element_type3A_6, %dot_general3A_10 {dimension_numbers = #tpu.dot_dimension_numbers<[0], [0], [1], [1], [0, 1, 1, 1], [], []>, transpose_lhs_hint = false} : vector<128x12544xf32>, vector<128x128xf32>, vector<12544x128xf32> -> vector<12544x128xf32>
    %add3A = arith.addf %dot_general3A_9, %dot_general3A_11 : vector<12544x128xf32>
    %swap3A = arith.constant 0 : index
    %swap3A_12 = arith.constant 0 : index
    %swap3A_13 = vector.load %arg3[%swap3A, %swap3A_12] : memref<12544x128xf32, #tpu.memory_space<vmem>>, vector<12544x128xf32>
    tpu.vector_store %arg3[%swap3A, %swap3A_12], %add3A {strides = array<i32>} : memref<12544x128xf32, #tpu.memory_space<vmem>>, vector<12544x128xf32>,
    return
  }
  func.func @transform_0(%arg0: i32) -> (i32, i32) {
    %c0_i32 = arith.constant 0 : i32
    %c0_i32_0 = arith.constant 0 : i32
    return %c0_i32, %arg0 : i32, i32
  }
  func.func @transform_1(%arg0: i32) -> (i32, i32) {
    %add3A = arith.constant 40 : i32
    %add3A_0 = arith.addi %arg0, %add3A : i32
    %c0_i32 = arith.constant 0 : i32
    %c0_i32_1 = arith.constant 0 : i32
    return %c0_i32, %add3A_0 : i32, i32
  }
  func.func @transform_2(%arg0: i32) -> (i32, i32) {
    %c0_i32 = arith.constant 0 : i32
    %c0_i32_0 = arith.constant 0 : i32
    return %arg0, %c0_i32 : i32, i32
  }
}

module attributes {stable_mosaic.version = 14 : i64} {
  func.func @_fc_body(%arg0: i32, %arg1: memref<512x64xf32, #tpu.memory_space<vmem>>, %arg2: memref<1000x64xf32, #tpu.memory_space<vmem>>, %arg3: memref<1000x1xf32, #tpu.memory_space<vmem>>, %arg4: memref<1000x512xf32, #tpu.memory_space<vmem>>) attributes {dimension_semantics = [#tpu.dimension_semantics<arbitrary>], iteration_bounds = array<i64: 8>, scalar_prefetch = 0 : i64, scratch_operands = 0 : i64, tpu.core_type = #tpu.core_type<tc>, window_params = [{transform_indices = @transform_0, window_bounds = array<i64: 512, 64>}, {pipeline_mode = #tpu.pipeline_mode<synchronous>, transform_indices = @transform_1, window_bounds = array<i64: 1000, 64>}, {pipeline_mode = #tpu.pipeline_mode<synchronous>, transform_indices = @transform_2, window_bounds = array<i64: 1000, 1>}, {transform_indices = @transform_3, window_bounds = array<i64: 1000, 512>}]} {
    %get3A = arith.constant 0 : index
    %get3A_0 = arith.constant 0 : index
    %get3A_1 = vector.load %arg1[%get3A, %get3A_0] : memref<512x64xf32, #tpu.memory_space<vmem>>, vector<512x64xf32>
    %mul3A = arith.mulf %get3A_1, %get3A_1 : vector<512x64xf32>
    %reduce_sum3A = arith.constant dense<0.000000e+00> : vector<512xf32>
    %reduce_sum3A_2 = vector.multi_reduction <add>, %mul3A, %reduce_sum3A [1] : vector<512x64xf32> to vector<512xf32>
    %broadcast_in_dim3A = vector.shape_cast %reduce_sum3A_2 : vector<512xf32> to vector<512x1xf32>
    %sqrt3A = math.sqrt %broadcast_in_dim3A : vector<512x1xf32>
    %max3A = arith.constant 9.99999996E-13 : f32
    %max3A_3 = vector.broadcast %max3A : f32 to vector<512x1xf32>
    %max3A_4 = arith.maximumf %sqrt3A, %max3A_3 : vector<512x1xf32>
    %div3A = vector.broadcast %max3A_4 : vector<512x1xf32> to vector<512x64xf32>
    %div3A_5 = arith.divf %get3A_1, %div3A : vector<512x64xf32>
    %get3A_6 = arith.constant 0 : index
    %get3A_7 = arith.constant 0 : index
    %get3A_8 = vector.load %arg2[%get3A_6, %get3A_7] : memref<1000x64xf32, #tpu.memory_space<vmem>>, vector<1000x64xf32>
    %dot_general3A = arith.constant dense<0.000000e+00> : vector<1000x512xf32>
    %dot_general3A_9 = tpu.matmul %get3A_8, %div3A_5, %dot_general3A {dimension_numbers = #tpu.dot_dimension_numbers<[1], [1], [0], [0], [0, 0, 1, 0], [], []>, transpose_lhs_hint = false} : vector<1000x64xf32>, vector<512x64xf32>, vector<1000x512xf32> -> vector<1000x512xf32>
    %get3A_10 = arith.constant 0 : index
    %get3A_11 = arith.constant 0 : index
    %get3A_12 = vector.load %arg3[%get3A_10, %get3A_11] : memref<1000x1xf32, #tpu.memory_space<vmem>>, vector<1000x1xf32>
    %add3A = vector.broadcast %get3A_12 : vector<1000x1xf32> to vector<1000x512xf32>
    %add3A_13 = arith.addf %dot_general3A_9, %add3A : vector<1000x512xf32>
    %swap3A = arith.constant 0 : index
    %swap3A_14 = arith.constant 0 : index
    %swap3A_15 = vector.load %arg4[%swap3A, %swap3A_14] : memref<1000x512xf32, #tpu.memory_space<vmem>>, vector<1000x512xf32>
    tpu.vector_store %arg4[%swap3A, %swap3A_14], %add3A_13 {strides = array<i32>} : memref<1000x512xf32, #tpu.memory_space<vmem>>, vector<1000x512xf32>,
    return
  }
  func.func @transform_0(%arg0: i32) -> (i32, i32) {
    %c0_i32 = arith.constant 0 : i32
    %c0_i32_0 = arith.constant 0 : i32
    return %arg0, %c0_i32 : i32, i32
  }
  func.func @transform_1(%arg0: i32) -> (i32, i32) {
    %c0_i32 = arith.constant 0 : i32
    %c0_i32_0 = arith.constant 0 : i32
    %c0_i32_1 = arith.constant 0 : i32
    return %c0_i32, %c0_i32_0 : i32, i32
  }
  func.func @transform_2(%arg0: i32) -> (i32, i32) {
    %c0_i32 = arith.constant 0 : i32
    %c0_i32_0 = arith.constant 0 : i32
    %c0_i32_1 = arith.constant 0 : i32
    return %c0_i32, %c0_i32_0 : i32, i32
  }
  func.func @transform_3(%arg0: i32) -> (i32, i32) {
    %c0_i32 = arith.constant 0 : i32
    %c0_i32_0 = arith.constant 0 : i32
    return %c0_i32, %arg0 : i32, i32
  }
}

</mosaic_0001>

<sc_bundles>
// kernel: kernel.5.cloned.1.call-start
scs
__scs_entry_jumppad:
0x0: {  	(pc) =	sbr.rel $0x88, $3  }
0x1: {  	(tag) =	ssettag $0x0;
	lr =	simm.s32 $0x1  }
0x2: {  	[smem:$0x3F9D] =	sst lr;
	_ =	strace $0xD0000000  }
0x3: {  	_ = 	snop  }
0x4: {  	_ = 	snop  }
0x5: {  	_ = 	snop  }
0x6: {  	_ = 	snop  }
0x7: {  	_ = 	snop  }
__scs_overlays_trampoline_lowered:
0x8: {  	[smem:$0x3FAC] =	sst s0  }
0x9: {  	[smem:$0x3FAD] =	sst s1  }
0xa: {  	[smem:$0x3FAE] =	sst s2  }
0xb: {  	[smem:$0x3FAF] =	sst s3  }
0xc: {  	[smem:$0x3FB0] =	sst s4  }
0xd: {  	[smem:$0x3FB1] =	sst s5  }
0xe: {  	[smem:$0x3FB2] =	sst s6  }
0xf: {  	[smem:$0x3FB3] =	sst s7  }
0x10: {  	[smem:$0x3FB4] =	sst s8  }
0x11: {  	[smem:$0x3FB5] =	sst s9;
	s0 =	simm.s32 @!p0 $0x0  }
0x12: {  	s1 =	sld [smem:$0x3F9B];
	s0 =	simm.s32 @p0 $0x1  }
0x13: {  	[smem:$0x3FB6] =	sst s0;
	s0 =	simm.s32 @!p1 $0x0  }
0x14: {  	s2 =	sld [smem:$0x3F9A];
	s0 =	simm.s32 @p1 $0x1  }
0x15: {  	[smem:$0x3FB7] =	sst s0;
	s0 =	simm.s32 @!p2 $0x0  }
0x16: {  	s3 =	sld [smem:$0x3FDB];
	s0 =	simm.s32 @p2 $0x1  }
0x17: {  	s4 =	simm.s32 $0x1BF5;
	[smem:$0x3FB9] =	sst s0  }
0x18: {  	s0 =	sld [smem:$0x3F9C];
	_ =	swait.ge [sflag:s4], $0x0  }
0x19: {  	s7 =	sld [smem:$0x3F9D]  }
0x1a: {  	s8 =	sadd.s32 $0xFFFFE003, lr  }
0x1b: {  	s9 =	sadd.s32 $0xFFFFFEF7, lr;
	s5 =	simm.s32 $0xFFFFFFFF;
	p2 =	slt.u32 s8, $0xFFFFF086  }
0x1c: {  	p1 =	slt.u32 s9, $0xF7A;
	s5 =	simm.s32 @!p2 $0x0  }
0x1d: {  	s5 =	simm.s32 @p1 $0x1;
	p0 =	seq.s32 s7, s2  }
0x1e: {  	s7 =	smul.u32 @!p0 $0xF7A, s2;
	p2 =	seq.s32 @!p0 s5, $0x0  }
0x1f: {  	s9 =	smul.u32 $0xF7A, s1;
	s8 =	simm.s32 @!p0 $0x1BF5;
	p2 =	por !p2, p0  }
0x20: {  	[sflag:s8] =	ssyncset.s32 @!p0 $0xFFFFF086;
	s6 =	sadd.s32 @!p0 s3, s7;
	s7 =	simm.s32 @!p0 $0x108  }
0x21: {  	s3 =	sadd.s32 s3, s9;
	s6 =	sadd.s32 @!p0 $0x88, s6;
	s7 =	simm.s32 @p2 $0x1082  }
0x22: {  	[simem:s7], [sflag:s8] =	dma.local @!p0 [hbm:s6], $0xF7A  }
0x23: {  	s9 =	sor.u32 $0xD0000000, s2;
	s6 =	simm.s32 $0x108;
	_ =	swait.ge @!p0 [sflag:s8], $0x0  }
0x24: {  	s3 =	sadd.s32 $0x88, s3;
	s6 =	simm.s32 @!p1 $0x1082;
	[sflag:s4] =	ssyncset.s32 $0xFFFFF086  }
0x25: {  	[simem:s6], [sflag:s4] =	dma.local [hbm:s3], $0xF7A  }
0x26: {  	[smem:$0x3F9D] =	sst s1;
	(tag) =	ssettag s2;
	_ =	strace s9  }
0x27: {  	s1 =	sld [smem:$0x3FAD]  }
0x28: {  	s2 =	sld [smem:$0x3FAE]  }
0x29: {  	s4 =	sld [smem:$0x3FB0]  }
0x2a: {  	p0 =	seq.s32 s5, $0x0;
	s5 =	sld [smem:$0x3FB1]  }
0x2b: {  	s6 =	sld [smem:$0x3FB2]  }
0x2c: {  	s7 =	sld [smem:$0x3FB3]  }
0x2d: {  	s3 =	simm.s32 $0x108;
	s8 =	sld [smem:$0x3FB4]  }
0x2e: {  	s3 =	simm.s32 @!p0 $0x1082;
	s9 =	sld [smem:$0x3FB5]  }
0x2f: {  	lr =	sadd.s32 s0, s3;
	s0 =	sld [smem:$0x3FAC]  }
0x30: {  	s3 =	sld [smem:$0x3FAF]  }
0x31: {  	[smem:$0x3FB8] =	sst s10  }
0x32: {  	s10 =	sld [smem:$0x3FB6];
	_ =	sdelay $0x3  }
0x33: {  	p0 =	seq.s32 s10, $0x1;
	s10 =	sld [smem:$0x3FB8];
	_ =	sdelay $0x3  }
0x34: {  	[smem:$0x3FB8] =	sst s10  }
0x35: {  	s10 =	sld [smem:$0x3FB7];
	_ =	sdelay $0x3  }
0x36: {  	p1 =	seq.s32 s10, $0x1;
	s10 =	sld [smem:$0x3FB8];
	_ =	sdelay $0x3  }
0x37: {  	[smem:$0x3FB8] =	sst s10  }
0x38: {  	s10 =	sld [smem:$0x3FB9]  }
0x39: {  	_ = 	snop;
	(pc) =	sbr.ind lr, $3  }
0x3a: {  	_ = 	snop  }
0x3b: {  	_ = 	snop  }
0x3c: {  	p2 =	seq.s32 s10, $0x1;
	s10 =	sld [smem:$0x3FB8]  }
0x3d: {  	_ =	shalt  }
0x3e: {  	_ =	shalt  }
0x3f: {  	_ =	shalt  }
0x40: {  	_ =	shalt  }
0x41: {  	_ =	shalt  }
0x42: {  	_ =	shalt  }
0x43: {  	_ =	shalt  }
0x44: {  	_ =	shalt  }
0x45: {  	_ =	shalt  }
0x46: {  	_ =	shalt  }
0x47: {  	_ =	shalt  }
0x48: {  	_ =	shalt  }
0x49: {  	_ =	shalt  }
0x4a: {  	_ =	shalt  }
0x4b: {  	_ =	shalt  }
0x4c: {  	_ =	shalt  }
0x4d: {  	_ =	shalt  }
0x4e: {  	_ =	shalt  }
0x4f: {  	_ =	shalt  }
0x50: {  	_ =	shalt  }
0x51: {  	_ =	shalt  }
0x52: {  	_ =	shalt  }
0x53: {  	_ =	shalt  }
0x54: {  	_ =	shalt  }
0x55: {  	_ =	shalt  }
0x56: {  	_ =	shalt  }
0x57: {  	_ =	shalt  }
0x58: {  	_ =	shalt  }
0x59: {  	_ =	shalt  }
0x5a: {  	_ =	shalt  }
0x5b: {  	_ =	shalt  }
0x5c: {  	_ =	shalt  }
0x5d: {  	_ =	shalt  }
0x5e: {  	_ =	shalt  }
0x5f: {  	_ =	shalt  }
0x60: {  	_ =	shalt  }
0x61: {  	_ =	shalt  }
0x62: {  	_ =	shalt  }
0x63: {  	_ =	shalt  }
0x64: {  	_ =	shalt  }
0x65: {  	_ =	shalt  }
0x66: {  	_ =	shalt  }
0x67: {  	_ =	shalt  }
0x68: {  	_ =	shalt  }
0x69: {  	_ =	shalt  }
0x6a: {  	_ =	shalt  }
0x6b: {  	_ =	shalt  }
0x6c: {  	_ =	shalt  }
0x6d: {  	_ =	shalt  }
0x6e: {  	_ =	shalt  }
0x6f: {  	_ =	shalt  }
0x70: {  	_ =	shalt  }
0x71: {  	_ =	shalt  }
0x72: {  	_ =	shalt  }
0x73: {  	_ =	shalt  }
0x74: {  	_ =	shalt  }
0x75: {  	_ =	shalt  }
0x76: {  	_ =	shalt  }
0x77: {  	_ =	shalt  }
0x78: {  	_ =	shalt  }
0x79: {  	_ =	shalt  }
0x7a: {  	_ =	shalt  }
0x7b: {  	_ =	shalt  }
0x7c: {  	_ =	shalt  }
0x7d: {  	_ =	shalt  }
0x7e: {  	_ =	shalt  }
0x7f: {  	_ =	shalt  }
0x80: {  	_ =	shalt  }
0x81: {  	_ =	shalt  }
0x82: {  	_ =	shalt  }
0x83: {  	_ =	shalt  }
0x84: {  	_ =	shalt  }
0x85: {  	_ =	shalt  }
0x86: {  	_ =	shalt  }
0x87: {  	_ =	shalt  }
.Lfunc_end0:
.L_simem_size_0:
called_computation_lowered:
.L_overlay_start_0:
0x88: {  	s2 =	sld [smem:$0x3FD9]  }
0x89: {  	s3 =	sld [smem:$0x3FFE];
	_ =	sdelay $0x1  }
0x8a: {  	s1 =	srdreg.scid  }
0x8b: {  	s0 =	sand.u32 $0x1, s1  }
0x8c: {  	s17 =	sshll.u32 s0, $0xA;
	s2 =	sadd.s32 s3, s2  }
0x8d: {  	s2 =	sadd.s32 s2, s17  }
0x8e: {  	[smem:$0x3FC4] =	sst s2  }
0x8f: {  	_ = 	snop  }
0x90: {  	s2 =	sld [smem:$0x3FD0];
	(tm) =	ssettm $0x1  }
0x91: {  	s18 =	sld [smem:$0x3FFB];
	_ =	sdelay $0x3  }
0x92: {  	_ =	strace s18  }
0x93: {  	s3 =	sld [smem:$0x3FFC];
	_ =	sdelay $0x3  }
0x94: {  	_ =	strace s3  }
0x95: {  	s3 =	sld [smem:$0x3FFD];
	_ =	sdelay $0x3  }
0x96: {  	_ =	strace s3  }
0x97: {  	_ =	strace $0x8FFFFFFF  }
0x98: {  	s19 =	sld [smem:$0x3FDB];
	_ =	sdelay $0x1  }
0x99: {  	s4 =	simm.s32 $_scs_section_size  }
0x9a: {  	s5 =	simm.s32 $_size__tile_overlayer_lowered;
	s6 =	simm.s32 $_tile_overlayer_lowered  }
0x9b: {  	s22 =	simm.s32 $0x1BFF;
	s21 =	sshll.u32 s6, $0x1;
	s3 =	sadd.s32 s4, s19  }
0x9c: {  	s7 =	simm.s32 $0x0;
	s20 =	sshll.u32 s5, $0x1;
	s5 =	sadd.s32 s21, s3  }
0x9d: {  	[timem:s7], [sflag:s22] =	dma.local [hbm:s5], s20  }
0x9e: {  	_ =	swait.ge [sflag:s22], s20  }
0x9f: {  	s4 =	ssub.s32 $0x0, s20;
	[sflag:s22] =	ssyncset.done $0x0  }
0xa0: {  	[sflag:s22] =	ssyncadd.s32 s4;
	_ =	sdelay $0x1  }
0xa1: {  	s23 =	simm.s32 $0x1B8B  }
0xa2: {  	_ =	swait.ge [sflag:s23], $0x1  }
0xa3: {  	[sflag:s23] =	ssyncset.done $0x0  }
0xa4: {  	s25 =	simm.s32 $0x1B8E;
	s24 =	sld [smem:$0x3FFE];
	[sflag:s23] =	ssyncadd.s32 $0xFFFFFFFF  }
0xa5: {  	s26 =	simm.s32 $execute0_lowered;
	[smem:$0x3FD2] =	sst s25  }
0xa6: {  	s5 =	sshll.u32 s26, $0x1;
	_ =	strace $0x80000046;
	[dreg:$0x1] =	wrdreg $0xFFFFFFFF  }
0xa7: {  	s28 =	simm.s32 $_size_execute0_lowered;
	s3 =	sadd.s32 s3, s5;
	[dreg:$0x0] =	wrdreg $0x0  }
0xa8: {  	s5 =	sshll.u32 s28, $0x1;
	[dreg:$0x2] =	wrdreg s3  }
0xa9: {  	[dreg:$0x3] =	wrdreg s5  }
0xaa: {  	[dreg:$0x4] =	wrdreg $0xC0  }
0xab: {  	_ =	task [dreg:s7], $0x5FFFF  }
0xac: {  	[dreg:$0x1] =	wrdreg $0xFFFFFFFF  }
0xad: {  	[dreg:$0x0] =	wrdreg $0x60  }
0xae: {  	[dreg:$0x2] =	wrdreg s2  }
0xaf: {  	[dreg:$0x3] =	wrdreg s24  }
0xb0: {  	[dreg:$0x4] =	wrdreg $0x9  }
0xb1: {  	_ =	task.clear_ibuf [dreg:s7], $0x5FFFF;
	_ =	strace $0x90000046  }
0xb2: {  	s29 =	simm.s32 $0x9;
	_ =	strace $0x80000048  }
0xb3: {  	_ =	swait.ge [sflag:s29], $0x1  }
0xb4: {  	[sflag:s29] =	ssyncadd.s32 $0xFFFFFFFF  }
0xb5: {  	_ =	strace $0x90000048  }
0xb6: {  	_ =	sfence  }
0xb7: {  	s30 =	sld [smem:$0x0];
	_ =	sdelay $0x2  }
0xb8: {  	s31 =	sshll.u32 s1, $0xD;
	s1 =	sshrl.u32 s1, $0x2  }
0xb9: {  	s3 =	sand.u32 $0x4000, s31;
	s1 =	sadd.s32 s1, s30  }
0xba: {  	s0 =	sor.u32 s3, s0;
	s1 =	sshll.u32 s1, $0x11  }
0xbb: {  	s0 =	sor.u32 s1, s0  }
0xbc: {  	s0 =	sadd.s32 $0x8F2B, s0  }
0xbd: {  	[sflag:s0] =	ssyncadd.remote.s32 $0x1  }
0xbe: {  	_ =	sfence.sel $0xFFFF  }
0xbf: {  	[dreg:$0x0] =	wrdreg $0xFFFFFFFF;
	(pc) =	sbr.abs _section_cstart, $3  }
0xc0: {  	[dreg:$0x1] =	wrdreg $0xFFFFFFFF  }
0xc1: {  	_ =	task.clear_ibuf [dreg:s7], $0x2FFFF;
	_ =	strace $0x9FFFFFFF  }
0xc2: {  	(tm) =	ssettm $0x7FFFFFFF  }
0xc3: {  	_ =	shalt  }
tec
execute0_lowered:
.L_overlay_start_1:
0x0: {  	(tag) =	ssettag $0x1  }
0x1: {  	s4 =	rddreg [dreg:$0x0]  }
0x2: {  	s5 =	rddreg [dreg:$0x1]  }
0x3: {  	s2 =	srdreg.scid;
	s1 =	stileid.u32  }
0x4: {  	s10 =	simm.s32 $0x6E00;
	s11 =	simm.s32 $0x50;
	s12 =	simm.s32 $0x7800  }
0x5: {  	s13 =	simm.s32 $0x78;
	s14 =	simm.s32 $0x8200;
	s15 =	simm.s32 $0xA0  }
0x6: {  	s16 =	simm.s32 $0x8C00;
	s17 =	simm.s32 $0x9600;
	s18 =	simm.s32 $0xA000  }
0x7: {  	s19 =	simm.s32 $0xAA00;
	s20 =	simm.s32 $0xB400;
	s21 =	simm.s32 $0xBE00  }
0x8: {  	s22 =	simm.s32 $0x1;
	s23 =	simm.s32 $0x2;
	s24 =	simm.s32 $0xC800  }
0x9: {  	s25 =	simm.s32 $0x0;
	s3 =	sand.u32 $0x1, s2;
	s2 =	simm.s32 $0x0  }
0xa: {  	s6 =	sshll.u32 s1, $0x8;
	s7 =	sshll.u32 s3, $0x7;
	[smem:$0x7FF] =	sst s2  }
0xb: {  	s30 =	ssub.s32 $0x2, s3;
	s3 =	sadd.s32 $0x800, s5;
	s6 =	sor.u32 s7, s6  }
0xc: {  	_ =	strace $0x80000047;
	s9 =	sshrl.u32 s30, $0x1;
	s7 =	simm.s32 $0x3  }
0xd: {  	s8 =	smul.u32 $0x19, s6;
	s6 =	sshll.u32 s6, $0x3;
	s31 =	ssub.s32 s30, s9  }
0xe: {  	s9 =	simm.s32 $0x6400;
	s5 =	sadd.s32 s6, s5;
	s6 =	smax.u32 s31, $0x1  }
0xf: {  	s4 =	sadd.s32 s4, s8;
	s5 =	sadd.s32 $0x7A8800, s5;
	s8 =	simm.s32 $0x28  }
.LBB2_1:
0x10: {  	[tilespmem:s2], [sflag:$0x3] =	stream.linear.gather [hbm4b:s4+s2], $0x6400, $0x38;
	[tilespmem:$0xE800] =	vst v63  }
0x11: {  	_ =	swait.ge [sflag:s7], $0x6400  }
0x12: {  	[sflag:s7] =	ssyncset.done $0x0  }
0x13: {  	[sflag:s7] =	ssyncadd.s32 $0xFFFF9C00  }
0x14: {  	[tilespmem:s9], [sflag:$0x1] =	stream.indirect.gather [hbm4b:s3+s8], $0x40, s2, s8, $0xb8;
	[tilespmem:$0xE800] =	vst v63  }
0x15: {  	_ = 	snop  }
0x16: {  	[tilespmem:s10], [sflag:$0x1] =	stream.indirect.gather [hbm4b:s3+s8], $0x40, s8, s8, $0xb8;
	[tilespmem:$0xE800] =	vst v63  }
0x17: {  	_ = 	snop  }
0x18: {  	[tilespmem:s12], [sflag:$0x1] =	stream.indirect.gather [hbm4b:s3+s8], $0x40, s11, s8, $0xb8;
	[tilespmem:$0xE800] =	vst v63  }
0x19: {  	_ = 	snop  }
0x1a: {  	[tilespmem:s14], [sflag:$0x1] =	stream.indirect.gather [hbm4b:s3+s8], $0x40, s13, s8, $0xb8;
	[tilespmem:$0xE800] =	vst v63  }
0x1b: {  	s26 =	simm.s32 $0x0  }
0x1c: {  	[tilespmem:s16], [sflag:$0x1] =	stream.indirect.gather [hbm4b:s3+s8], $0x40, s15, s8, $0xb8;
	[tilespmem:$0xE800] =	vst v63  }
.LBB2_2:
0x1d: {  	s28 =	sshllo.u32 s26, $0x1  }
0x1e: {  	s29 =	smul.u32 $0x320, s28;
	_ =	sdelay $0x1  }
0x1f: {  	s29 =	sshra.s32 s29, $0x2  }
0x20: {  	[tilespmem:s17], [sflag:$0x2] =	stream.indirect.gather [hbm4b:s3+s8], $0x40, s29, s8, $0xb8;
	[tilespmem:$0xE800] =	vst v63  }
0x21: {  	s30 =	sadd.s32 $0x28, s29  }
0x22: {  	[tilespmem:s18], [sflag:$0x2] =	stream.indirect.gather [hbm4b:s3+s8], $0x40, s30, s8, $0xb8;
	[tilespmem:$0xE800] =	vst v63  }
0x23: {  	s30 =	sadd.s32 $0x50, s29  }
0x24: {  	[tilespmem:s19], [sflag:$0x2] =	stream.indirect.gather [hbm4b:s3+s8], $0x40, s30, s8, $0xb8;
	[tilespmem:$0xE800] =	vst v63  }
0x25: {  	s30 =	sadd.s32 $0x78, s29  }
0x26: {  	[tilespmem:s20], [sflag:$0x2] =	stream.indirect.gather [hbm4b:s3+s8], $0x40, s30, s8, $0xb8;
	[tilespmem:$0xE800] =	vst v63  }
0x27: {  	s29 =	sadd.s32 $0xA0, s29  }
0x28: {  	[tilespmem:s21], [sflag:$0x2] =	stream.indirect.gather [hbm4b:s3+s8], $0x40, s29, s8, $0xb8;
	[tilespmem:$0xE800] =	vst v63  }
0x29: {  	_ =	swait.ge [sflag:s22], $0xA00  }
0x2a: {  	[sflag:s22] =	ssyncset.done $0x0  }
0x2b: {  	[sflag:s22] =	ssyncadd.s32 $0xFFFFF600  }
0x2c: {  	_ =	swait.ge [sflag:s22], $0xA00  }
0x2d: {  	[sflag:s22] =	ssyncset.done $0x0  }
0x2e: {  	[sflag:s22] =	ssyncadd.s32 $0xFFFFF600  }
0x2f: {  	_ =	swait.ge [sflag:s22], $0xA00  }
0x30: {  	[sflag:s22] =	ssyncset.done $0x0  }
0x31: {  	[sflag:s22] =	ssyncadd.s32 $0xFFFFF600  }
0x32: {  	_ =	swait.ge [sflag:s22], $0xA00  }
0x33: {  	[sflag:s22] =	ssyncset.done $0x0  }
0x34: {  	[sflag:s22] =	ssyncadd.s32 $0xFFFFF600  }
0x35: {  	_ =	swait.ge [sflag:s22], $0xA00  }
0x36: {  	[sflag:s22] =	ssyncset.done $0x0  }
0x37: {  	s30 =	simm.s32 $0x6500;
	[sflag:s22] =	ssyncadd.s32 $0xFFFFF600  }
0x38: {  	v0 =	vld [tilespmem:s30+$0xC0]  }
0x39: {  	v1 =	vld [tilespmem:s30+$0xD0]  }
0x3a: {  	v2 =	vld [tilespmem:s30+$0x80]  }
0x3b: {  	v3 =	vld [tilespmem:s30+$0x90]  }
0x3c: {  	v9 =	vld [tilespmem:s30+$0x40]  }
0x3d: {  	v12 =	vld [tilespmem:s30+$0x50]  }
0x3e: {  	v5 =	vld [tilespmem:s30+$0x0]  }
0x3f: {  	v8 =	vld [tilespmem:s30+$0x10]  }
0x40: {  	v6 =	vld [tilespmem:s30+$0xFFFFFFC0]  }
0x41: {  	v7 =	vld [tilespmem:s30+$0xFFFFFFD0]  }
0x42: {  	v4 =	vld [tilespmem:s30+$0xFFFFFF80]  }
0x43: {  	v10 =	vld [tilespmem:s30+$0xFFFFFF90]  }
0x44: {  	v11 =	vld [tilespmem:s30+$0xFFFFFF40]  }
0x45: {  	v13 =	vld [tilespmem:s30+$0xFFFFFF50]  }
0x46: {  	v14 =	vld [tilespmem:s30+$0xFFFFFF00]  }
0x47: {  	v15 =	vld [tilespmem:s30+$0xFFFFFF10]  }
0x48: {  	v16 =	vld [tilespmem:s30+$0xFFFFFF20]  }
0x49: {  	v17 =	vld [tilespmem:s30+$0xFFFFFF30]  }
0x4a: {  	v18 =	vld [tilespmem:s30+$0xFFFFFF60]  }
0x4b: {  	v19 =	vld [tilespmem:s30+$0xFFFFFF70]  }
0x4c: {  	v20 =	vimm.f32 $0.0e+00;
	v21 =	vld [tilespmem:s30+$0xFFFFFFA0]  }
0x4d: {  	v22 =	vld [tilespmem:s30+$0xFFFFFFB0];
	v14 =	vadd.f32 v14, v20;
	v15 =	vadd.f32 v15, v20  }
0x4e: {  	v59 =	vld [tilespmem:s30+$0xFFFFFFE0];
	v16 =	vadd.f32 v16, v20;
	v17 =	vadd.f32 v17, v20  }
0x4f: {  	v11 =	vadd.f32 v11, v14;
	v13 =	vadd.f32 v13, v15;
	v14 =	vld [tilespmem:s30+$0xFFFFFFF0]  }
0x50: {  	v61 =	vld [tilespmem:s30+$0x20];
	v15 =	vadd.f32 v18, v16;
	v60 =	vadd.f32 v19, v17  }
0x51: {  	v11 =	vadd.f32 v4, v11;
	v10 =	vadd.f32 v10, v13;
	v13 =	vld [tilespmem:s30+$0x30]  }
0x52: {  	v15 =	vadd.f32 v21, v15;
	v16 =	vadd.f32 v22, v60;
	v4 =	vld [tilespmem:s30+$0x60]  }
0x53: {  	v11 =	vadd.f32 v6, v11;
	v10 =	vadd.f32 v7, v10;
	v7 =	vld [tilespmem:s30+$0x70]  }
0x54: {  	v15 =	vadd.f32 v59, v15;
	v6 =	vld [tilespmem:s30+$0xA0];
	v14 =	vadd.f32 v14, v16  }
0x55: {  	v62 =	vadd.f32 v5, v11;
	v63 =	vadd.f32 v8, v10;
	v8 =	vld [tilespmem:s30+$0xB0]  }
0x56: {  	v11 =	vadd.f32 v61, v15;
	v5 =	vld [tilespmem:s30+$0xE0];
	v10 =	vadd.f32 v13, v14  }
0x57: {  	s29 =	simm.s32 $0x0;
	v13 =	vadd.f32 v9, v62;
	v12 =	vadd.f32 v12, v63;
	v9 =	vld [tilespmem:s30+$0xF0];
	s30 =	simm.s32 $0x6700  }
.LBB2_3:
0x58: {  	v14 =	vld [tilespmem:s30+$0xC0];
	v4 =	vadd.f32 v4, v11;
	v7 =	vadd.f32 v7, v10  }
0x59: {  	v10 =	vld [tilespmem:s30+$0xD0];
	v11 =	vadd.f32 v2, v13;
	v12 =	vadd.f32 v3, v12  }
0x5a: {  	v2 =	vld [tilespmem:s30+$0x80];
	v4 =	vadd.f32 v6, v4;
	v6 =	vadd.f32 v8, v7  }
0x5b: {  	v3 =	vld [tilespmem:s30+$0x90];
	v7 =	vadd.f32 v0, v11;
	v8 =	vadd.f32 v1, v12  }
0x5c: {  	v12 =	vld [tilespmem:s30+$0x40];
	v4 =	vadd.f32 v5, v4;
	v5 =	vadd.f32 v9, v6  }
0x5d: {  	v9 =	vld [tilespmem:s30+$0x50];
	v0 =	vmov v14  }
0x5e: {  	v11 =	vld [tilespmem:s30+$0x0];
	v1 =	vmov v10  }
0x5f: {  	v10 =	vld [tilespmem:s30+$0x10]  }
0x60: {  	v6 =	vld [tilespmem:s30+$0xFFFFFFC0]  }
0x61: {  	v13 =	vld [tilespmem:s30+$0xFFFFFFD0]  }
0x62: {  	v14 =	vld [tilespmem:s30+$0xFFFFFF80]  }
0x63: {  	v15 =	vld [tilespmem:s30+$0xFFFFFF90]  }
0x64: {  	v16 =	vld [tilespmem:s30+$0xFFFFFF40]  }
0x65: {  	v17 =	vld [tilespmem:s30+$0xFFFFFF50]  }
0x66: {  	v18 =	vld [tilespmem:s30+$0xFFFFFF00]  }
0x67: {  	v19 =	vld [tilespmem:s30+$0xFFFFFF10]  }
0x68: {  	v20 =	vld [tilespmem:s30+$0xFFFFFF20]  }
0x69: {  	s29 =	sadd.s32 $0x8, s29;
	v21 =	vld [tilespmem:s30+$0xFFFFFF30]  }
0x6a: {  	p0 =	slt.u32 s29, $0xC0;
	v22 =	vld [tilespmem:s30+$0xFFFFFF60]  }
0x6b: {  	v23 =	vld [tilespmem:s30+$0xFFFFFF70]  }
0x6c: {  	v24 =	vld [tilespmem:s30+$0xFFFFFFA0]  }
0x6d: {  	v7 =	vadd.f32 v18, v7;
	v8 =	vadd.f32 v19, v8;
	v18 =	vld [tilespmem:s30+$0xFFFFFFB0]  }
0x6e: {  	v4 =	vadd.f32 v20, v4;
	v5 =	vadd.f32 v21, v5;
	v19 =	vld [tilespmem:s30+$0xFFFFFFE0]  }
0x6f: {  	v7 =	vadd.f32 v16, v7;
	v8 =	vadd.f32 v17, v8;
	v16 =	vld [tilespmem:s30+$0xFFFFFFF0]  }
0x70: {  	v4 =	vadd.f32 v22, v4;
	v5 =	vadd.f32 v23, v5;
	v17 =	vld [tilespmem:s30+$0x20]  }
0x71: {  	v7 =	vadd.f32 v14, v7;
	v8 =	vadd.f32 v15, v8;
	v14 =	vld [tilespmem:s30+$0x30]  }
0x72: {  	v15 =	vadd.f32 v24, v4;
	v5 =	vadd.f32 v18, v5;
	v4 =	vld [tilespmem:s30+$0x60]  }
.Ltmp0:
0x73: {  	v18 =	vadd.f32 v6, v7;
	v8 =	vadd.f32 v13, v8;
	v7 =	vld [tilespmem:s30+$0x70];
	(pc) =	sbr.rel @p0 .LBB2_3-.Ltmp0, $4  }
0x74: {  	v13 =	vadd.f32 v19, v15;
	v5 =	vadd.f32 v16, v5;
	v6 =	vld [tilespmem:s30+$0xA0]  }
0x75: {  	v15 =	vadd.f32 v11, v18;
	v16 =	vadd.f32 v10, v8;
	v8 =	vld [tilespmem:s30+$0xB0]  }
0x76: {  	v11 =	vadd.f32 v17, v13;
	v10 =	vadd.f32 v14, v5;
	v5 =	vld [tilespmem:s30+$0xE0]  }
0x77: {  	v13 =	vadd.f32 v12, v15;
	v12 =	vadd.f32 v9, v16;
	v9 =	vld [tilespmem:s30+$0xF0];
	s30 =	sadd.s32 $0x200, s30  }
0x78: {  	_ = 	snop  }
0x79: {  	v4 =	vadd.f32 v4, v11;
	v2 =	vadd.f32 v2, v13  }
0x7a: {  	v7 =	vadd.f32 v7, v10;
	v3 =	vadd.f32 v3, v12  }
0x7b: {  	s29 =	sshll.u32 s26, $0x7;
	v4 =	vadd.f32 v6, v4;
	v0 =	vadd.f32 v0, v2  }
0x7c: {  	p0 =	seq.s32 s26, $0x3F;
	s29 =	sand.u32 $0x3FFFFF80, s29;
	v2 =	vadd.f32 v8, v7;
	v1 =	vadd.f32 v1, v3  }
0x7d: {  	s30 =	smul.u32 @!p0 $0x640, s26;
	v3 =	vadd.f32 v5, v4;
	[tilespmem:s29+$0xC800] =	vst v0  }
0x7e: {  	v0 =	vadd.f32 v9, v2;
	[tilespmem:s29+$0xC810] =	vst v1  }
0x7f: {  	s30 =	sshra.s32 @!p0 s30, $0x2;
	[tilespmem:s29+$0xC820] =	vst v3  }
0x80: {  	s31 =	simm.s32 @!p0 $0x28;
	s0 =	simm.s32 @!p0 $0x6400;
	[tilespmem:s29+$0xC830] =	vst v0;
	s29 =	sadd.s32 @!p0 $0x190, s30  }
0x81: {  	[tilespmem:s0], [sflag:$0x1] =	stream.indirect.gather @!p0 [hbm4b:s3+s31], $0x40, s29, s31, $0xb8;
	[tilespmem:$0xE800] =	vst v63  }
0x82: {  	s0 =	sadd.s32 @!p0 $0x1B8, s30;
	s29 =	simm.s32 @!p0 $0x6E00  }
0x83: {  	[tilespmem:s29], [sflag:$0x1] =	stream.indirect.gather @!p0 [hbm4b:s3+s31], $0x40, s0, s31, $0xb8;
	[tilespmem:$0xE800] =	vst v63  }
0x84: {  	s0 =	sadd.s32 @!p0 $0x1E0, s30;
	s29 =	simm.s32 @!p0 $0x7800  }
0x85: {  	[tilespmem:s29], [sflag:$0x1] =	stream.indirect.gather @!p0 [hbm4b:s3+s31], $0x40, s0, s31, $0xb8;
	[tilespmem:$0xE800] =	vst v63  }
0x86: {  	s0 =	sadd.s32 @!p0 $0x208, s30;
	s29 =	simm.s32 @!p0 $0x8200  }
0x87: {  	[tilespmem:s29], [sflag:$0x1] =	stream.indirect.gather @!p0 [hbm4b:s3+s31], $0x40, s0, s31, $0xb8;
	[tilespmem:$0xE800] =	vst v63  }
0x88: {  	s0 =	sadd.s32 @!p0 $0x230, s30;
	s29 =	simm.s32 @!p0 $0x8C00  }
0x89: {  	[tilespmem:s29], [sflag:$0x1] =	stream.indirect.gather @!p0 [hbm4b:s3+s31], $0x40, s0, s31, $0xb8;
	[tilespmem:$0xE800] =	vst v63  }
0x8a: {  	_ =	swait.ge [sflag:s23], $0xA00  }
0x8b: {  	[sflag:s23] =	ssyncset.done $0x0  }
0x8c: {  	[sflag:s23] =	ssyncadd.s32 $0xFFFFF600  }
0x8d: {  	_ =	swait.ge [sflag:s23], $0xA00  }
0x8e: {  	[sflag:s23] =	ssyncset.done $0x0  }
0x8f: {  	[sflag:s23] =	ssyncadd.s32 $0xFFFFF600  }
0x90: {  	_ =	swait.ge [sflag:s23], $0xA00  }
0x91: {  	[sflag:s23] =	ssyncset.done $0x0  }
0x92: {  	[sflag:s23] =	ssyncadd.s32 $0xFFFFF600  }
0x93: {  	_ =	swait.ge [sflag:s23], $0xA00  }
0x94: {  	[sflag:s23] =	ssyncset.done $0x0  }
0x95: {  	[sflag:s23] =	ssyncadd.s32 $0xFFFFF600  }
0x96: {  	_ =	swait.ge [sflag:s23], $0xA00  }
0x97: {  	[sflag:s23] =	ssyncset.done $0x0  }
0x98: {  	s31 =	simm.s32 $0x9700;
	[sflag:s23] =	ssyncadd.s32 $0xFFFFF600  }
0x99: {  	v0 =	vld [tilespmem:s31+$0xC0]  }
0x9a: {  	v1 =	vld [tilespmem:s31+$0xD0]  }
0x9b: {  	v2 =	vld [tilespmem:s31+$0x80]  }
0x9c: {  	v3 =	vld [tilespmem:s31+$0x90]  }
0x9d: {  	v9 =	vld [tilespmem:s31+$0x40]  }
0x9e: {  	v12 =	vld [tilespmem:s31+$0x50]  }
0x9f: {  	v6 =	vld [tilespmem:s31+$0x0]  }
0xa0: {  	v8 =	vld [tilespmem:s31+$0x10]  }
0xa1: {  	v5 =	vld [tilespmem:s31+$0xFFFFFFC0]  }
0xa2: {  	v7 =	vld [tilespmem:s31+$0xFFFFFFD0]  }
0xa3: {  	v4 =	vld [tilespmem:s31+$0xFFFFFF80]  }
0xa4: {  	v10 =	vld [tilespmem:s31+$0xFFFFFF90]  }
0xa5: {  	v11 =	vld [tilespmem:s31+$0xFFFFFF40]  }
0xa6: {  	v13 =	vld [tilespmem:s31+$0xFFFFFF50]  }
0xa7: {  	v14 =	vld [tilespmem:s31+$0xFFFFFF00]  }
0xa8: {  	v15 =	vld [tilespmem:s31+$0xFFFFFF10]  }
0xa9: {  	v16 =	vld [tilespmem:s31+$0xFFFFFF20]  }
0xaa: {  	v17 =	vld [tilespmem:s31+$0xFFFFFF30]  }
0xab: {  	v18 =	vld [tilespmem:s31+$0xFFFFFF60]  }
0xac: {  	v19 =	vld [tilespmem:s31+$0xFFFFFF70]  }
0xad: {  	v20 =	vimm.f32 $0.0e+00;
	v21 =	vld [tilespmem:s31+$0xFFFFFFA0]  }
0xae: {  	v22 =	vld [tilespmem:s31+$0xFFFFFFB0];
	v14 =	vadd.f32 v14, v20;
	v15 =	vadd.f32 v15, v20  }
0xaf: {  	v59 =	vld [tilespmem:s31+$0xFFFFFFE0];
	v16 =	vadd.f32 v16, v20;
	v17 =	vadd.f32 v17, v20  }
0xb0: {  	v11 =	vadd.f32 v11, v14;
	v13 =	vadd.f32 v13, v15;
	v14 =	vld [tilespmem:s31+$0xFFFFFFF0]  }
0xb1: {  	v61 =	vld [tilespmem:s31+$0x20];
	v15 =	vadd.f32 v18, v16;
	v60 =	vadd.f32 v19, v17  }
0xb2: {  	v11 =	vadd.f32 v4, v11;
	v10 =	vadd.f32 v10, v13;
	v13 =	vld [tilespmem:s31+$0x30]  }
0xb3: {  	v15 =	vadd.f32 v21, v15;
	v16 =	vadd.f32 v22, v60;
	v4 =	vld [tilespmem:s31+$0x60]  }
0xb4: {  	v11 =	vadd.f32 v5, v11;
	v10 =	vadd.f32 v7, v10;
	v7 =	vld [tilespmem:s31+$0x70]  }
0xb5: {  	v15 =	vadd.f32 v59, v15;
	v5 =	vld [tilespmem:s31+$0xA0];
	v14 =	vadd.f32 v14, v16  }
0xb6: {  	v62 =	vadd.f32 v6, v11;
	v63 =	vadd.f32 v8, v10;
	v8 =	vld [tilespmem:s31+$0xB0]  }
0xb7: {  	v11 =	vadd.f32 v61, v15;
	v6 =	vld [tilespmem:s31+$0xE0];
	v10 =	vadd.f32 v13, v14  }
0xb8: {  	s30 =	simm.s32 $0x9900;
	s29 =	simm.s32 $0x0;
	v13 =	vadd.f32 v9, v62;
	v12 =	vadd.f32 v12, v63;
	v9 =	vld [tilespmem:s31+$0xF0]  }
.LBB2_5:
0xb9: {  	v14 =	vld [tilespmem:s30+$0xC0];
	v4 =	vadd.f32 v4, v11;
	v7 =	vadd.f32 v7, v10  }
0xba: {  	v10 =	vld [tilespmem:s30+$0xD0];
	v11 =	vadd.f32 v2, v13;
	v12 =	vadd.f32 v3, v12  }
0xbb: {  	v2 =	vld [tilespmem:s30+$0x80];
	v4 =	vadd.f32 v5, v4;
	v5 =	vadd.f32 v8, v7  }
0xbc: {  	v3 =	vld [tilespmem:s30+$0x90];
	v7 =	vadd.f32 v0, v11;
	v8 =	vadd.f32 v1, v12  }
0xbd: {  	v12 =	vld [tilespmem:s30+$0x40];
	v4 =	vadd.f32 v6, v4;
	v5 =	vadd.f32 v9, v5  }
0xbe: {  	v9 =	vld [tilespmem:s30+$0x50];
	v0 =	vmov v14  }
0xbf: {  	v6 =	vld [tilespmem:s30+$0x0];
	v1 =	vmov v10  }
0xc0: {  	v10 =	vld [tilespmem:s30+$0x10]  }
0xc1: {  	v11 =	vld [tilespmem:s30+$0xFFFFFFC0]  }
0xc2: {  	v13 =	vld [tilespmem:s30+$0xFFFFFFD0]  }
0xc3: {  	v14 =	vld [tilespmem:s30+$0xFFFFFF80]  }
0xc4: {  	v15 =	vld [tilespmem:s30+$0xFFFFFF90]  }
0xc5: {  	v16 =	vld [tilespmem:s30+$0xFFFFFF40]  }
0xc6: {  	v17 =	vld [tilespmem:s30+$0xFFFFFF50]  }
0xc7: {  	v18 =	vld [tilespmem:s30+$0xFFFFFF00]  }
0xc8: {  	v19 =	vld [tilespmem:s30+$0xFFFFFF10]  }
0xc9: {  	v20 =	vld [tilespmem:s30+$0xFFFFFF20]  }
0xca: {  	s29 =	sadd.s32 $0x8, s29;
	v21 =	vld [tilespmem:s30+$0xFFFFFF30]  }
0xcb: {  	p0 =	slt.u32 s29, $0xC0;
	v22 =	vld [tilespmem:s30+$0xFFFFFF60]  }
0xcc: {  	v23 =	vld [tilespmem:s30+$0xFFFFFF70]  }
0xcd: {  	v24 =	vld [tilespmem:s30+$0xFFFFFFA0]  }
0xce: {  	v7 =	vadd.f32 v18, v7;
	v8 =	vadd.f32 v19, v8;
	v18 =	vld [tilespmem:s30+$0xFFFFFFB0]  }
0xcf: {  	v4 =	vadd.f32 v20, v4;
	v5 =	vadd.f32 v21, v5;
	v19 =	vld [tilespmem:s30+$0xFFFFFFE0]  }
0xd0: {  	v7 =	vadd.f32 v16, v7;
	v8 =	vadd.f32 v17, v8;
	v16 =	vld [tilespmem:s30+$0xFFFFFFF0]  }
0xd1: {  	v4 =	vadd.f32 v22, v4;
	v5 =	vadd.f32 v23, v5;
	v17 =	vld [tilespmem:s30+$0x20]  }
0xd2: {  	v7 =	vadd.f32 v14, v7;
	v8 =	vadd.f32 v15, v8;
	v14 =	vld [tilespmem:s30+$0x30]  }
0xd3: {  	v15 =	vadd.f32 v24, v4;
	v5 =	vadd.f32 v18, v5;
	v4 =	vld [tilespmem:s30+$0x60]  }
.Ltmp1:
0xd4: {  	v11 =	vadd.f32 v11, v7;
	v8 =	vadd.f32 v13, v8;
	v7 =	vld [tilespmem:s30+$0x70];
	(pc) =	sbr.rel @p0 .LBB2_5-.Ltmp1, $4  }
0xd5: {  	v13 =	vadd.f32 v19, v15;
	v15 =	vadd.f32 v16, v5;
	v5 =	vld [tilespmem:s30+$0xA0]  }
0xd6: {  	v16 =	vadd.f32 v6, v11;
	v18 =	vadd.f32 v10, v8;
	v8 =	vld [tilespmem:s30+$0xB0]  }
0xd7: {  	v11 =	vadd.f32 v17, v13;
	v10 =	vadd.f32 v14, v15;
	v6 =	vld [tilespmem:s30+$0xE0]  }
0xd8: {  	v13 =	vadd.f32 v12, v16;
	v12 =	vadd.f32 v9, v18;
	v9 =	vld [tilespmem:s30+$0xF0];
	s30 =	sadd.s32 $0x200, s30  }
0xd9: {  	_ = 	snop  }
0xda: {  	v4 =	vadd.f32 v4, v11;
	v2 =	vadd.f32 v2, v13  }
0xdb: {  	v7 =	vadd.f32 v7, v10;
	s26 =	sadd.s32 $0x1, s26;
	v3 =	vadd.f32 v3, v12  }
0xdc: {  	s0 =	sshll.u32 s28, $0x6;
	p0 =	sne.s32 s26, $0x40;
	v4 =	vadd.f32 v5, v4;
	v0 =	vadd.f32 v0, v2  }
.Ltmp2:
0xdd: {  	s0 =	sand.u32 $0x3FFFFFC0, s0;
	v61 =	vadd.f32 v8, v7;
	v1 =	vadd.f32 v1, v3;
	(pc) =	sbr.rel @p0 .LBB2_2-.Ltmp2, $4  }
0xde: {  	v62 =	vadd.f32 v6, v4;
	[tilespmem:s0+$0xC800] =	vst v0  }
0xdf: {  	v63 =	vadd.f32 v9, v61;
	[tilespmem:s0+$0xC810] =	vst v1  }
0xe0: {  	[tilespmem:s0+$0xC820] =	vst v62  }
0xe1: {  	[tilespmem:s0+$0xC830] =	vst v63  }
0xe2: {  	s25 =	sadd.s32 $0x1, s25  }
0xe3: {  	p0 =	sne.s32 s25, s6  }
.Ltmp3:
0xe4: {  	_ = 	snop;
	(pc) =	sbr.rel @p0 .LBB2_1-.Ltmp3, $4  }
0xe5: {  	[hbm4b:s5+s2] =	stream.linear.scatter [tilespmem:s24], [sflag:$0x3], $0x2000, $0x38;
	[tilespmem:$0xE800] =	vst v63  }
0xe6: {  	_ =	swait.ge [sflag:s7], $0x2000  }
0xe7: {  	[sflag:s7] =	ssyncset.done $0x0  }
0xe8: {  	[sflag:s7] =	ssyncadd.s32 $0xFFFFE000  }
0xe9: {  	_ =	sfence.sel $0x180000  }
0xea: {  	[bflag:$0x0] =	sbarrier.arrive $0xFFFF  }
0xeb: {  	_ =	strace $0x90000047  }
0xec: {  	[bflag:$0x2] =	sbarrier.arrive $0xFFFF  }
0xed: {  	p0 =	sne.s32 s1, $0x0;
	s0 =	rddreg [dreg:$0x2]  }
0xee: {  	s0 =	sadd.s32 @!p0 $0x100000, s0  }
0xef: {  	[sflag:s0] =	ssyncadd.tile.s32 @!p0 $0x1;
	_ =	shalt  }
.Lfunc_end2:
_tile_overlayer_lowered:
.L_overlay_start_2:
0xf0: {  	(tag) =	ssettag $0x2  }
0xf1: {  	s0 =	rddreg [dreg:$0x0];
	s2 =	stileid.u32  }
0xf2: {  	s1 =	rddreg [dreg:$0x1];
	p0 =	sne.s32 s2, $0x0  }
0xf3: {  	s3 =	rddreg [dreg:$0x2];
	[bflag:$0x3] =	sbarrier.arrive $0xFFFF;
	s2 =	simm.s32 @!p0 $0x1C03  }
0xf4: {  	[timem:s3], [sflag:s2] =	dma.local @!p0 [hbm:s0], s1  }
0xf5: {  	s0 =	simm.s32 @!p0 $0x3  }
0xf6: {  	_ =	swait.ge @!p0 [sflag:s0], s1  }
0xf7: {  	s1 =	ssub.s32 @!p0 $0x0, s1;
	[sflag:s0] =	ssyncset.done @!p0 $0x0  }
0xf8: {  	[sflag:s0] =	ssyncadd.s32 @!p0 s1  }
0xf9: {  	[bflag:$0x3] =	sbarrier.arrive $0xFFFF  }
0xfa: {  	_ =	shalt  }

</sc_bundles>
